<compile_context>
chip_gen: v7x
topology: tpu7x:2x2x1
jax: 0.10.2.dev20260603
libtpu: 0.0.44.dev20260713+nightly
codegen_flags: <defaults>
</compile_context>

<pallas_src>
import functools

import jax
import jax.numpy as jnp
from jax import lax
from jax.experimental import pallas as pl
from jax.experimental.pallas import tpu as pltpu
from jax.experimental.pallas import tpu_sc as plsc

_NBUF = 4
_SW = 1024


def _sc_shuffle(cache4, tok_flat, idx_arr):
    H, B, D, S = cache4.shape
    NW = 32
    PPW = (H * B) // NW
    DT = D // 8
    NSH = S // _SW
    CPP = DT * NSH
    ngrp = PPW * CPP // _NBUF

    mesh = plsc.VectorSubcoreMesh(core_axis_name="c", subcore_axis_name="s")

    @functools.partial(
        pl.kernel,
        mesh=mesh,
        out_type=jax.ShapeDtypeStruct((B, H, D, S), jnp.float32),
        scratch_types=[
            pltpu.VMEM((_NBUF, 8, _SW), jnp.float32),
            pltpu.VMEM_SHARED((2, B * H * D), jnp.float32),
            pltpu.VMEM((16,), jnp.int32),
        ] + [pltpu.SemaphoreType.DMA] * (2 * _NBUF + 1),
    )
    def sc_update(idx_hbm, tok_hbm, c_hbm, o_hbm, bufs, kbuf, idx_v, *sems):
        semr = sems[:_NBUF]
        semw = sems[_NBUF:2 * _NBUF]
        semp = sems[2 * _NBUF]
        sid = lax.axis_index("s")
        w = sid * 2 + lax.axis_index("c")

        pltpu.sync_copy(idx_hbm, idx_v)
        t0 = idx_v[...][0]

        @pl.when(sid == 0)
        def _():
            pltpu.sync_copy(tok_hbm, kbuf.at[0])

        plsc.subcore_barrier()

        def coords(t):
            p = w * PPW + t // CPP
            c = t % CPP
            return p // B, p % B, (c // NSH) * 8, (c % NSH) * _SW

        def group(g, carry):
            for j in range(_NBUF):
                h, b, d0, s0 = coords(g * _NBUF + j)

                @pl.when(g > 0)
                def _():
                    pltpu.make_async_copy(
                        bufs.at[j], o_hbm.at[0, 0, pl.ds(0, 8), pl.ds(0, _SW)],
                        semw[j]).wait()

                pltpu.async_copy(
                    c_hbm.at[h, b, pl.ds(d0, 8), pl.ds(s0, _SW)],
                    bufs.at[j], semr[j])
            for j in range(_NBUF):
                h, b, d0, s0 = coords(g * _NBUF + j)
                pltpu.make_async_copy(
                    c_hbm.at[0, 0, pl.ds(0, 8), pl.ds(0, _SW)],
                    bufs.at[j], semr[j]).wait()
                rel = t0 - s0

                @pl.when((rel >= 0) & (rel < _SW))
                def _():
                    pltpu.async_copy(
                        kbuf.at[0, pl.ds((b * H + h) * D + d0, 8)],
                        bufs.at[j, :, rel], semp).wait()

                pltpu.async_copy(
                    bufs.at[j], o_hbm.at[b, h, pl.ds(d0, 8), pl.ds(s0, _SW)],
                    semw[j])
            return carry

        lax.fori_loop(0, ngrp, group, 0)
        for j in range(_NBUF):
            pltpu.make_async_copy(
                bufs.at[j], o_hbm.at[0, 0, pl.ds(0, 8), pl.ds(0, _SW)],
                semw[j]).wait()

    return sc_update(idx_arr, tok_flat, cache4)


def _tc_body(idx_ref, c_ref, tok_ref, o_ref):
    s = idx_ref[0]
    base = pl.multiple_of((s // 128) * 128, 128)
    o_ref[...] = c_ref[...]
    sub = c_ref[:, pl.ds(base, 128)]
    col = jax.lax.broadcasted_iota(jnp.int32, sub.shape, 1) + base
    o_ref[:, pl.ds(base, 128)] = jnp.where(col == s, tok_ref[...], sub)


def _tc_shuffle(cache4, tok41, idx):
    H, B, D, S = cache4.shape
    cache_spec = pl.BlockSpec((None, None, D, S), lambda b, h, i: (h, b, 0, 0))
    tok_spec = pl.BlockSpec((None, None, D, 1), lambda b, h, i: (b, h, 0, 0))
    out_spec = pl.BlockSpec((None, None, D, S), lambda b, h, i: (b, h, 0, 0))

    return pl.pallas_call(
        _tc_body,
        grid_spec=pltpu.PrefetchScalarGridSpec(
            num_scalar_prefetch=1,
            grid=(B, H),
            in_specs=[cache_spec, tok_spec],
            out_specs=out_spec,
        ),
        out_shape=jax.ShapeDtypeStruct((B, H, D, S), jnp.float32),
        compiler_params=pltpu.CompilerParams(
            dimension_semantics=("arbitrary", "arbitrary"),
        ),
    )(idx, cache4, tok41)


def kernel(key, value, cached_ar_key, cached_ar_value, cache_ar_index):
    S, H, B, D = cached_ar_key.shape

    ck4 = jnp.transpose(cached_ar_key, (1, 2, 3, 0))
    cv4 = jnp.transpose(cached_ar_value, (1, 2, 3, 0))
    idx = jnp.clip(jnp.asarray(cache_ar_index, jnp.int32), 0, S - 1)
    idx_arr = jnp.full((16,), idx)

    out_v = _sc_shuffle(cv4, value.reshape(B * H * D), idx_arr)
    out_k = _tc_shuffle(ck4, key.reshape(B, H, D, 1), idx.reshape(1))

    return (jnp.transpose(out_k, (0, 3, 1, 2)),
            jnp.transpose(out_v, (0, 3, 1, 2)))

# --- scband reference (transcript-rebuilt; emitter-appended) ---
"""Pipeline reference for scband-kvcache-53523882442922 (READ-ONLY COPY).

The authoritative reference and input builder live on the scoring server;
editing this copy changes nothing except your own understanding.
"""

import jax, jax.numpy as jnp
import numpy as np

# KVCache autoregressive update step (MaxText-style, no quantization).
# ar_cache_axis_order = (1, 2, 0, 3): logical (batch, seq, heads, dkv) is stored as (seq, heads, batch, dkv).
AR_ORDER = (1, 2, 0, 3)

def setup_inputs(seed: int = 0) -> dict:
    key = jax.random.key(seed)
    k1, k2, k3, k4 = jax.random.split(key, 4)
    B, S, H, D = 16, 4096, 16, 64
    return {
        "key": jax.random.normal(k1, (B, 1, H, D), dtype=jnp.float32),
        "value": jax.random.normal(k2, (B, 1, H, D), dtype=jnp.float32),
        # AR caches in transposed storage layout (S, H, B, D)
        "cached_ar_key": jax.random.normal(k3, (S, H, B, D), dtype=jnp.float32),
        "cached_ar_value": jax.random.normal(k4, (S, H, B, D), dtype=jnp.float32),
        "cache_ar_index": 2048,
    }

def reference(key, value, cached_ar_key, cached_ar_value, cache_ar_index):
    # Transpose the one-token K/V into cache storage order: (B,1,H,D) -> (1,H,B,D)
    key_t = jnp.transpose(key, AR_ORDER)
    value_t = jnp.transpose(value, AR_ORDER)
    # Scatter-overwrite into the AR cache at the current decode position (seq axis is axis 0 in stored layout)
    new_k = jax.lax.dynamic_update_slice(cached_ar_key, key_t, (cache_ar_index, 0, 0, 0))
    new_v = jax.lax.dynamic_update_slice(cached_ar_value, value_t, (cache_ar_index, 0, 0, 0))
    # reverse_transpose: move stored layout back to logical (B, S, H, D) for attention
    full_k = jnp.moveaxis(new_k, (0, 1, 2, 3), AR_ORDER)
    full_v = jnp.moveaxis(new_v, (0, 1, 2, 3), AR_ORDER)
    return full_k, full_v

if __name__ == "__main__":
    import jax
    _d = setup_inputs()
    print(jax.jit(kernel)(*tuple(_d.values())))

</pallas_src>

<mosaic_0001>
#map = affine_map<(d0, d1) -> (0)>
#map1 = affine_map<(d0, d1) -> (0, 0, 0, 0)>
module attributes {stable_mosaic.version = 14 : i64} {
  func.func @sc_update(%arg0: i32, %arg1: i32, %arg2: memref<16xi32, #tpu.memory_space<hbm>>, %arg3: memref<16384xf32, #tpu.memory_space<hbm>>, %arg4: memref<16x16x64x4096xf32, #tpu.memory_space<hbm>>, %arg5: memref<16x16x64x4096xf32, #tpu.memory_space<hbm>>, %arg6: memref<4x8x1024xf32, #tpu.memory_space<vmem>>, %arg7: memref<2x16384xf32, #tpu.memory_space<vmem_shared>>, %arg8: memref<16xi32, #tpu.memory_space<vmem>>, %arg9: memref<!tpu.dma_semaphore, #tpu.memory_space<semaphore_mem>>, %arg10: memref<!tpu.dma_semaphore, #tpu.memory_space<semaphore_mem>>, %arg11: memref<!tpu.dma_semaphore, #tpu.memory_space<semaphore_mem>>, %arg12: memref<!tpu.dma_semaphore, #tpu.memory_space<semaphore_mem>>, %arg13: memref<!tpu.dma_semaphore, #tpu.memory_space<semaphore_mem>>, %arg14: memref<!tpu.dma_semaphore, #tpu.memory_space<semaphore_mem>>, %arg15: memref<!tpu.dma_semaphore, #tpu.memory_space<semaphore_mem>>, %arg16: memref<!tpu.dma_semaphore, #tpu.memory_space<semaphore_mem>>, %arg17: memref<!tpu.dma_semaphore, #tpu.memory_space<semaphore_mem>>) attributes {dimension_semantics = [#tpu.dimension_semantics<core_parallel>, #tpu.dimension_semantics<subcore_parallel>], iteration_bounds = array<i64: 2, 16>, scalar_prefetch = 0 : i64, scratch_operands = 12 : i64, tpu.core_type = #tpu.core_type<sc_vector_subcore>, window_params = [{transform_indices = #map}, {transform_indices = #map}, {transform_indices = #map1}, {transform_indices = #map1}]} {
    %mul3A = arith.constant 2 : i32
    %mul3A_0 = arith.muli %arg1, %mul3A : i32
    %add3A = arith.addi %mul3A_0, %arg0 : i32
    "tpu.region"() ({
      %run_scoped3A = tpu.sem_alloc : memref<!tpu.dma_semaphore, #tpu.memory_space<semaphore_mem>>
      tpu.enqueue_dma source(%arg2 : memref<16xi32, #tpu.memory_space<hbm>>) target(%arg8 : memref<16xi32, #tpu.memory_space<vmem>>) target_semaphore(%run_scoped3A : memref<!tpu.dma_semaphore, #tpu.memory_space<semaphore_mem>>)
      tpu.wait_dma2 semaphore(%run_scoped3A : memref<!tpu.dma_semaphore, #tpu.memory_space<semaphore_mem>>) src(%arg2 : memref<16xi32, #tpu.memory_space<hbm>>) dst(%arg8 : memref<16xi32, #tpu.memory_space<vmem>>)
      tpu.yield
    }) : () -> ()
    %get3A = arith.constant 0 : index
    %get3A_1 = tpu.vector_load %arg8[%get3A] {strides = array<i32>} : memref<16xi32, #tpu.memory_space<vmem>>, vector<16xi32>,
    %get3A_2 = vector.shape_cast %get3A_1 : vector<16xi32> to vector<16xi32>
    %slice3A = vector.extract_strided_slice %get3A_2 {offsets = [0], sizes = [1], strides = [1]} : vector<16xi32> to vector<1xi32>
    %squeeze3A = vector.extract %slice3A[0] : i32 from vector<1xi32>
    %eq3A = arith.constant 0 : i32
    %eq3A_3 = arith.cmpi eq, %arg1, %eq3A : i32
    %convert_element_type3A = arith.extui %eq3A_3 : i1 to i32
    %cond3A = arith.constant 0 : i32
    %cond3A_4 = arith.cmpi ne, %convert_element_type3A, %cond3A : i32
    scf.if %cond3A_4 {
      %run_scoped3A = arith.constant 0 : i32
      "tpu.region"() ({
        %run_scoped3A_85 = tpu.sem_alloc : memref<!tpu.dma_semaphore, #tpu.memory_space<semaphore_mem>>
        %dma_start3A = arith.constant 0 : i32
        %dma_start3A_86 = tpu.memref_slice %arg7[%run_scoped3A, %dma_start3A] : memref<2x16384xf32, #tpu.memory_space<vmem_shared>> -> memref<1x16384xf32, #tpu.memory_space<vmem_shared>>
        %dma_start3A_87 = tpu.memref_squeeze %dma_start3A_86 : memref<1x16384xf32, #tpu.memory_space<vmem_shared>> -> memref<16384xf32, #tpu.memory_space<vmem_shared>>
        tpu.enqueue_dma source(%arg3 : memref<16384xf32, #tpu.memory_space<hbm>>) target(%dma_start3A_87 : memref<16384xf32, #tpu.memory_space<vmem_shared>>) target_semaphore(%run_scoped3A_85 : memref<!tpu.dma_semaphore, #tpu.memory_space<semaphore_mem>>)
        %dma_wait3A_88 = arith.constant 0 : i32
        %dma_wait3A_89 = tpu.memref_slice %arg7[%run_scoped3A, %dma_wait3A_88] : memref<2x16384xf32, #tpu.memory_space<vmem_shared>> -> memref<1x16384xf32, #tpu.memory_space<vmem_shared>>
        %dma_wait3A_90 = tpu.memref_squeeze %dma_wait3A_89 : memref<1x16384xf32, #tpu.memory_space<vmem_shared>> -> memref<16384xf32, #tpu.memory_space<vmem_shared>>
        tpu.wait_dma2 semaphore(%run_scoped3A_85 : memref<!tpu.dma_semaphore, #tpu.memory_space<semaphore_mem>>) src(%arg3 : memref<16384xf32, #tpu.memory_space<hbm>>) dst(%dma_wait3A_90 : memref<16384xf32, #tpu.memory_space<vmem_shared>>)
        tpu.yield
      }) : () -> ()
    } else {
    }
    %barrier3A = arith.constant 0 : index
    tpu.barrier barrier_id(%barrier3A)
    %scan3A = arith.constant 0 : i32
    %scan3A_5 = arith.constant 0 : i32
    %scan3A_6 = arith.constant 64 : i32
    %scan3A_7 = arith.addi %scan3A_5, %scan3A_6 : i32
    %scan3A_8 = arith.constant 1 : i32
    scf.for %scan3A_85 = %scan3A_5 to %scan3A_7 step %scan3A_8  : i32 {
      %mul3A_86 = arith.constant 4 : i32
      %mul3A_87 = arith.muli %scan3A_85, %mul3A_86 : i32
      %add3A_88 = arith.constant 0 : i32
      %add3A_89 = arith.addi %mul3A_87, %add3A_88 : i32
      %mul3A_90 = arith.constant 8 : i32
      %mul3A_91 = arith.muli %add3A, %mul3A_90 : i32
      %jit3A = arith.constant 32 : i32
      %div3A = arith.divsi %add3A_89, %jit3A : i32
      %sign3A = arith.constant 0 : i32
      %sign3A_92 = arith.cmpi sgt, %add3A_89, %sign3A : i32
      %sign3A_93 = arith.extui %sign3A_92 : i1 to i32
      %sign3A_94 = arith.constant 0 : i32
      %sign3A_95 = arith.cmpi slt, %add3A_89, %sign3A_94 : i32
      %sign3A_96 = arith.extui %sign3A_95 : i1 to i32
      %sign3A_97 = arith.subi %sign3A_93, %sign3A_96 : i32
      %sign3A_98 = arith.constant 0 : i32
      %sign3A_99 = arith.cmpi sgt, %jit3A, %sign3A_98 : i32
      %sign3A_100 = arith.extui %sign3A_99 : i1 to i32
      %sign3A_101 = arith.constant 0 : i32
      %sign3A_102 = arith.cmpi slt, %jit3A, %sign3A_101 : i32
      %sign3A_103 = arith.extui %sign3A_102 : i1 to i32
      %sign3A_104 = arith.subi %sign3A_100, %sign3A_103 : i32
      %ne3A = arith.cmpi ne, %sign3A_97, %sign3A_104 : i32
      %rem3A = arith.remsi %add3A_89, %jit3A : i32
      %ne3A_105 = arith.constant 0 : i32
      %ne3A_106 = arith.cmpi ne, %rem3A, %ne3A_105 : i32
      %and3A = arith.andi %ne3A, %ne3A_106 : i1
      %sub3A = arith.constant 1 : i32
      %sub3A_107 = arith.subi %div3A, %sub3A : i32
      %select_n3A = arith.select %and3A, %sub3A_107, %div3A : i32
      %add3A_108 = arith.addi %mul3A_91, %select_n3A : i32
      %jit3A_109 = arith.constant 32 : i32
      %eq3A_110 = arith.constant 0 : i32
      %eq3A_111 = arith.cmpi eq, %jit3A_109, %eq3A_110 : i32
      %jit3A_112 = arith.constant 1 : i32
      %select_n3A_113 = arith.select %eq3A_111, %jit3A_112, %jit3A_109 : i32
      %rem3A_114 = arith.remsi %add3A_89, %select_n3A_113 : i32
      %ne3A_115 = arith.constant 0 : i32
      %ne3A_116 = arith.cmpi ne, %rem3A_114, %ne3A_115 : i32
      %lt3A = arith.constant 0 : i32
      %lt3A_117 = arith.cmpi slt, %rem3A_114, %lt3A : i32
      %lt3A_118 = arith.constant 0 : i32
      %lt3A_119 = arith.cmpi slt, %select_n3A_113, %lt3A_118 : i32
      %ne3A_120 = arith.xori %lt3A_117, %lt3A_119 : i1
      %and3A_121 = arith.andi %ne3A_120, %ne3A_116 : i1
      %add3A_122 = arith.addi %rem3A_114, %select_n3A_113 : i32
      %select_n3A_123 = arith.select %and3A_121, %add3A_122, %rem3A_114 : i32
      %jit3A_124 = arith.constant 16 : i32
      %div3A_125 = arith.divsi %add3A_108, %jit3A_124 : i32
      %sign3A_126 = arith.constant 0 : i32
      %sign3A_127 = arith.cmpi sgt, %add3A_108, %sign3A_126 : i32
      %sign3A_128 = arith.extui %sign3A_127 : i1 to i32
      %sign3A_129 = arith.constant 0 : i32
      %sign3A_130 = arith.cmpi slt, %add3A_108, %sign3A_129 : i32
      %sign3A_131 = arith.extui %sign3A_130 : i1 to i32
      %sign3A_132 = arith.subi %sign3A_128, %sign3A_131 : i32
      %sign3A_133 = arith.constant 0 : i32
      %sign3A_134 = arith.cmpi sgt, %jit3A_124, %sign3A_133 : i32
      %sign3A_135 = arith.extui %sign3A_134 : i1 to i32
      %sign3A_136 = arith.constant 0 : i32
      %sign3A_137 = arith.cmpi slt, %jit3A_124, %sign3A_136 : i32
      %sign3A_138 = arith.extui %sign3A_137 : i1 to i32
      %sign3A_139 = arith.subi %sign3A_135, %sign3A_138 : i32
      %ne3A_140 = arith.cmpi ne, %sign3A_132, %sign3A_139 : i32
      %rem3A_141 = arith.remsi %add3A_108, %jit3A_124 : i32
      %ne3A_142 = arith.constant 0 : i32
      %ne3A_143 = arith.cmpi ne, %rem3A_141, %ne3A_142 : i32
      %and3A_144 = arith.andi %ne3A_140, %ne3A_143 : i1
      %sub3A_145 = arith.constant 1 : i32
      %sub3A_146 = arith.subi %div3A_125, %sub3A_145 : i32
      %select_n3A_147 = arith.select %and3A_144, %sub3A_146, %div3A_125 : i32
      %jit3A_148 = arith.constant 16 : i32
      %eq3A_149 = arith.constant 0 : i32
      %eq3A_150 = arith.cmpi eq, %jit3A_148, %eq3A_149 : i32
      %jit3A_151 = arith.constant 1 : i32
      %select_n3A_152 = arith.select %eq3A_150, %jit3A_151, %jit3A_148 : i32
      %rem3A_153 = arith.remsi %add3A_108, %select_n3A_152 : i32
      %ne3A_154 = arith.constant 0 : i32
      %ne3A_155 = arith.cmpi ne, %rem3A_153, %ne3A_154 : i32
      %lt3A_156 = arith.constant 0 : i32
      %lt3A_157 = arith.cmpi slt, %rem3A_153, %lt3A_156 : i32
      %lt3A_158 = arith.constant 0 : i32
      %lt3A_159 = arith.cmpi slt, %select_n3A_152, %lt3A_158 : i32
      %ne3A_160 = arith.xori %lt3A_157, %lt3A_159 : i1
      %and3A_161 = arith.andi %ne3A_160, %ne3A_155 : i1
      %add3A_162 = arith.addi %rem3A_153, %select_n3A_152 : i32
      %select_n3A_163 = arith.select %and3A_161, %add3A_162, %rem3A_153 : i32
      %jit3A_164 = arith.constant 4 : i32
      %div3A_165 = arith.divsi %select_n3A_123, %jit3A_164 : i32
      %sign3A_166 = arith.constant 0 : i32
      %sign3A_167 = arith.cmpi sgt, %select_n3A_123, %sign3A_166 : i32
      %sign3A_168 = arith.extui %sign3A_167 : i1 to i32
      %sign3A_169 = arith.constant 0 : i32
      %sign3A_170 = arith.cmpi slt, %select_n3A_123, %sign3A_169 : i32
      %sign3A_171 = arith.extui %sign3A_170 : i1 to i32
      %sign3A_172 = arith.subi %sign3A_168, %sign3A_171 : i32
      %sign3A_173 = arith.constant 0 : i32
      %sign3A_174 = arith.cmpi sgt, %jit3A_164, %sign3A_173 : i32
      %sign3A_175 = arith.extui %sign3A_174 : i1 to i32
      %sign3A_176 = arith.constant 0 : i32
      %sign3A_177 = arith.cmpi slt, %jit3A_164, %sign3A_176 : i32
      %sign3A_178 = arith.extui %sign3A_177 : i1 to i32
      %sign3A_179 = arith.subi %sign3A_175, %sign3A_178 : i32
      %ne3A_180 = arith.cmpi ne, %sign3A_172, %sign3A_179 : i32
      %rem3A_181 = arith.remsi %select_n3A_123, %jit3A_164 : i32
      %ne3A_182 = arith.constant 0 : i32
      %ne3A_183 = arith.cmpi ne, %rem3A_181, %ne3A_182 : i32
      %and3A_184 = arith.andi %ne3A_180, %ne3A_183 : i1
      %sub3A_185 = arith.constant 1 : i32
      %sub3A_186 = arith.subi %div3A_165, %sub3A_185 : i32
      %select_n3A_187 = arith.select %and3A_184, %sub3A_186, %div3A_165 : i32
      %mul3A_188 = arith.constant 8 : i32
      %mul3A_189 = arith.muli %select_n3A_187, %mul3A_188 : i32
      %jit3A_190 = arith.constant 4 : i32
      %eq3A_191 = arith.constant 0 : i32
      %eq3A_192 = arith.cmpi eq, %jit3A_190, %eq3A_191 : i32
      %jit3A_193 = arith.constant 1 : i32
      %select_n3A_194 = arith.select %eq3A_192, %jit3A_193, %jit3A_190 : i32
      %rem3A_195 = arith.remsi %select_n3A_123, %select_n3A_194 : i32
      %ne3A_196 = arith.constant 0 : i32
      %ne3A_197 = arith.cmpi ne, %rem3A_195, %ne3A_196 : i32
      %lt3A_198 = arith.constant 0 : i32
      %lt3A_199 = arith.cmpi slt, %rem3A_195, %lt3A_198 : i32
      %lt3A_200 = arith.constant 0 : i32
      %lt3A_201 = arith.cmpi slt, %select_n3A_194, %lt3A_200 : i32
      %ne3A_202 = arith.xori %lt3A_199, %lt3A_201 : i1
      %and3A_203 = arith.andi %ne3A_202, %ne3A_197 : i1
      %add3A_204 = arith.addi %rem3A_195, %select_n3A_194 : i32
      %select_n3A_205 = arith.select %and3A_203, %add3A_204, %rem3A_195 : i32
      %mul3A_206 = arith.constant 1024 : i32
      %mul3A_207 = arith.muli %select_n3A_205, %mul3A_206 : i32
      %gt3A = arith.constant 0 : i32
      %gt3A_208 = arith.cmpi sgt, %scan3A_85, %gt3A : i32
      %convert_element_type3A_209 = arith.extui %gt3A_208 : i1 to i32
      %cond3A_210 = arith.constant 0 : i32
      %cond3A_211 = arith.cmpi ne, %convert_element_type3A_209, %cond3A_210 : i32
      scf.if %cond3A_211 {
        %dma_wait3A_1358 = arith.constant 0 : i32
        %dma_wait3A_1359 = arith.constant 0 : i32
        %dma_wait3A_1360 = arith.constant 0 : i32
        %dma_wait3A_1361 = arith.constant 0 : i32
        %dma_wait3A_1362 = arith.constant 0 : i32
        %dma_wait3A_1363 = tpu.memref_slice %arg6[%dma_wait3A_1358, %dma_wait3A_1361, %dma_wait3A_1362] : memref<4x8x1024xf32, #tpu.memory_space<vmem>> -> memref<1x8x1024xf32, #tpu.memory_space<vmem>>
        %dma_wait3A_1364 = tpu.memref_squeeze %dma_wait3A_1363 : memref<1x8x1024xf32, #tpu.memory_space<vmem>> -> memref<8x1024xf32, #tpu.memory_space<vmem>>
        %dma_wait3A_1365 = arith.constant 0 : i32
        %dma_wait3A_1366 = arith.constant 0 : i32
        %dma_wait3A_1367 = tpu.memref_slice %arg5[%dma_wait3A_1359, %dma_wait3A_1360, %dma_wait3A_1365, %dma_wait3A_1366] : memref<16x16x64x4096xf32, #tpu.memory_space<hbm>> -> memref<1x1x8x1024xf32, #tpu.memory_space<hbm>>
        %dma_wait3A_1368 = tpu.memref_squeeze %dma_wait3A_1367 : memref<1x1x8x1024xf32, #tpu.memory_space<hbm>> -> memref<8x1024xf32, #tpu.memory_space<hbm>>
        %dma_wait3A_1369 = arith.constant 0 : i32
        %dma_wait3A_1370 = arith.constant 0 : i32
        %dma_wait3A_1371 = tpu.memref_slice %arg5[%dma_wait3A_1359, %dma_wait3A_1360, %dma_wait3A_1369, %dma_wait3A_1370] : memref<16x16x64x4096xf32, #tpu.memory_space<hbm>> -> memref<1x1x8x1024xf32, #tpu.memory_space<hbm>>
        %dma_wait3A_1372 = tpu.memref_squeeze %dma_wait3A_1371 : memref<1x1x8x1024xf32, #tpu.memory_space<hbm>> -> memref<8x1024xf32, #tpu.memory_space<hbm>>
        %dma_wait3A_1373 = arith.constant 0 : i32
        %dma_wait3A_1374 = arith.constant 0 : i32
        %dma_wait3A_1375 = tpu.memref_slice %arg6[%dma_wait3A_1358, %dma_wait3A_1373, %dma_wait3A_1374] : memref<4x8x1024xf32, #tpu.memory_space<vmem>> -> memref<1x8x1024xf32, #tpu.memory_space<vmem>>
        %dma_wait3A_1376 = tpu.memref_squeeze %dma_wait3A_1375 : memref<1x8x1024xf32, #tpu.memory_space<vmem>> -> memref<8x1024xf32, #tpu.memory_space<vmem>>
        tpu.wait_dma2 semaphore(%arg13 : memref<!tpu.dma_semaphore, #tpu.memory_space<semaphore_mem>>) src(%dma_wait3A_1376 : memref<8x1024xf32, #tpu.memory_space<vmem>>) dst(%dma_wait3A_1372 : memref<8x1024xf32, #tpu.memory_space<hbm>>)
      } else {
      }
      %dma_start3A = arith.constant 0 : i32
      %dma_start3A_212 = arith.constant 0 : i32
      %dma_start3A_213 = arith.constant 0 : i32
      %dma_start3A_214 = tpu.memref_slice %arg6[%dma_start3A, %dma_start3A_212, %dma_start3A_213] : memref<4x8x1024xf32, #tpu.memory_space<vmem>> -> memref<1x8x1024xf32, #tpu.memory_space<vmem>>
      %dma_start3A_215 = tpu.memref_squeeze %dma_start3A_214 : memref<1x8x1024xf32, #tpu.memory_space<vmem>> -> memref<8x1024xf32, #tpu.memory_space<vmem>>
      %dma_start3A_216 = tpu.memref_slice %arg4[%select_n3A_147, %select_n3A_163, %mul3A_189, %mul3A_207] : memref<16x16x64x4096xf32, #tpu.memory_space<hbm>> -> memref<1x1x8x1024xf32, #tpu.memory_space<hbm>>
      %dma_start3A_217 = tpu.memref_squeeze %dma_start3A_216 : memref<1x1x8x1024xf32, #tpu.memory_space<hbm>> -> memref<8x1024xf32, #tpu.memory_space<hbm>>
      %dma_start3A_218 = arith.constant 0 : i32
      %dma_start3A_219 = arith.constant 0 : i32
      %dma_start3A_220 = tpu.memref_slice %arg6[%dma_start3A, %dma_start3A_218, %dma_start3A_219] : memref<4x8x1024xf32, #tpu.memory_space<vmem>> -> memref<1x8x1024xf32, #tpu.memory_space<vmem>>
      %dma_start3A_221 = tpu.memref_squeeze %dma_start3A_220 : memref<1x8x1024xf32, #tpu.memory_space<vmem>> -> memref<8x1024xf32, #tpu.memory_space<vmem>>
      %dma_start3A_222 = tpu.memref_slice %arg4[%select_n3A_147, %select_n3A_163, %mul3A_189, %mul3A_207] : memref<16x16x64x4096xf32, #tpu.memory_space<hbm>> -> memref<1x1x8x1024xf32, #tpu.memory_space<hbm>>
      %dma_start3A_223 = tpu.memref_squeeze %dma_start3A_222 : memref<1x1x8x1024xf32, #tpu.memory_space<hbm>> -> memref<8x1024xf32, #tpu.memory_space<hbm>>
      tpu.enqueue_dma source(%dma_start3A_223 : memref<8x1024xf32, #tpu.memory_space<hbm>>) target(%dma_start3A_221 : memref<8x1024xf32, #tpu.memory_space<vmem>>) target_semaphore(%arg9 : memref<!tpu.dma_semaphore, #tpu.memory_space<semaphore_mem>>)
      %mul3A_224 = arith.constant 4 : i32
      %mul3A_225 = arith.muli %scan3A_85, %mul3A_224 : i32
      %add3A_226 = arith.constant 1 : i32
      %add3A_227 = arith.addi %mul3A_225, %add3A_226 : i32
      %mul3A_228 = arith.constant 8 : i32
      %mul3A_229 = arith.muli %add3A, %mul3A_228 : i32
      %jit3A_230 = arith.constant 32 : i32
      %div3A_231 = arith.divsi %add3A_227, %jit3A_230 : i32
      %sign3A_232 = arith.constant 0 : i32
      %sign3A_233 = arith.cmpi sgt, %add3A_227, %sign3A_232 : i32
      %sign3A_234 = arith.extui %sign3A_233 : i1 to i32
      %sign3A_235 = arith.constant 0 : i32
      %sign3A_236 = arith.cmpi slt, %add3A_227, %sign3A_235 : i32
      %sign3A_237 = arith.extui %sign3A_236 : i1 to i32
      %sign3A_238 = arith.subi %sign3A_234, %sign3A_237 : i32
      %sign3A_239 = arith.constant 0 : i32
      %sign3A_240 = arith.cmpi sgt, %jit3A_230, %sign3A_239 : i32
      %sign3A_241 = arith.extui %sign3A_240 : i1 to i32
      %sign3A_242 = arith.constant 0 : i32
      %sign3A_243 = arith.cmpi slt, %jit3A_230, %sign3A_242 : i32
      %sign3A_244 = arith.extui %sign3A_243 : i1 to i32
      %sign3A_245 = arith.subi %sign3A_241, %sign3A_244 : i32
      %ne3A_246 = arith.cmpi ne, %sign3A_238, %sign3A_245 : i32
      %rem3A_247 = arith.remsi %add3A_227, %jit3A_230 : i32
      %ne3A_248 = arith.constant 0 : i32
      %ne3A_249 = arith.cmpi ne, %rem3A_247, %ne3A_248 : i32
      %and3A_250 = arith.andi %ne3A_246, %ne3A_249 : i1
      %sub3A_251 = arith.constant 1 : i32
      %sub3A_252 = arith.subi %div3A_231, %sub3A_251 : i32
      %select_n3A_253 = arith.select %and3A_250, %sub3A_252, %div3A_231 : i32
      %add3A_254 = arith.addi %mul3A_229, %select_n3A_253 : i32
      %jit3A_255 = arith.constant 32 : i32
      %eq3A_256 = arith.constant 0 : i32
      %eq3A_257 = arith.cmpi eq, %jit3A_255, %eq3A_256 : i32
      %jit3A_258 = arith.constant 1 : i32
      %select_n3A_259 = arith.select %eq3A_257, %jit3A_258, %jit3A_255 : i32
      %rem3A_260 = arith.remsi %add3A_227, %select_n3A_259 : i32
      %ne3A_261 = arith.constant 0 : i32
      %ne3A_262 = arith.cmpi ne, %rem3A_260, %ne3A_261 : i32
      %lt3A_263 = arith.constant 0 : i32
      %lt3A_264 = arith.cmpi slt, %rem3A_260, %lt3A_263 : i32
      %lt3A_265 = arith.constant 0 : i32
      %lt3A_266 = arith.cmpi slt, %select_n3A_259, %lt3A_265 : i32
      %ne3A_267 = arith.xori %lt3A_264, %lt3A_266 : i1
      %and3A_268 = arith.andi %ne3A_267, %ne3A_262 : i1
      %add3A_269 = arith.addi %rem3A_260, %select_n3A_259 : i32
      %select_n3A_270 = arith.select %and3A_268, %add3A_269, %rem3A_260 : i32
      %jit3A_271 = arith.constant 16 : i32
      %div3A_272 = arith.divsi %add3A_254, %jit3A_271 : i32
      %sign3A_273 = arith.constant 0 : i32
      %sign3A_274 = arith.cmpi sgt, %add3A_254, %sign3A_273 : i32
      %sign3A_275 = arith.extui %sign3A_274 : i1 to i32
      %sign3A_276 = arith.constant 0 : i32
      %sign3A_277 = arith.cmpi slt, %add3A_254, %sign3A_276 : i32
      %sign3A_278 = arith.extui %sign3A_277 : i1 to i32
      %sign3A_279 = arith.subi %sign3A_275, %sign3A_278 : i32
      %sign3A_280 = arith.constant 0 : i32
      %sign3A_281 = arith.cmpi sgt, %jit3A_271, %sign3A_280 : i32
      %sign3A_282 = arith.extui %sign3A_281 : i1 to i32
      %sign3A_283 = arith.constant 0 : i32
      %sign3A_284 = arith.cmpi slt, %jit3A_271, %sign3A_283 : i32
      %sign3A_285 = arith.extui %sign3A_284 : i1 to i32
      %sign3A_286 = arith.subi %sign3A_282, %sign3A_285 : i32
      %ne3A_287 = arith.cmpi ne, %sign3A_279, %sign3A_286 : i32
      %rem3A_288 = arith.remsi %add3A_254, %jit3A_271 : i32
      %ne3A_289 = arith.constant 0 : i32
      %ne3A_290 = arith.cmpi ne, %rem3A_288, %ne3A_289 : i32
      %and3A_291 = arith.andi %ne3A_287, %ne3A_290 : i1
      %sub3A_292 = arith.constant 1 : i32
      %sub3A_293 = arith.subi %div3A_272, %sub3A_292 : i32
      %select_n3A_294 = arith.select %and3A_291, %sub3A_293, %div3A_272 : i32
      %jit3A_295 = arith.constant 16 : i32
      %eq3A_296 = arith.constant 0 : i32
      %eq3A_297 = arith.cmpi eq, %jit3A_295, %eq3A_296 : i32
      %jit3A_298 = arith.constant 1 : i32
      %select_n3A_299 = arith.select %eq3A_297, %jit3A_298, %jit3A_295 : i32
      %rem3A_300 = arith.remsi %add3A_254, %select_n3A_299 : i32
      %ne3A_301 = arith.constant 0 : i32
      %ne3A_302 = arith.cmpi ne, %rem3A_300, %ne3A_301 : i32
      %lt3A_303 = arith.constant 0 : i32
      %lt3A_304 = arith.cmpi slt, %rem3A_300, %lt3A_303 : i32
      %lt3A_305 = arith.constant 0 : i32
      %lt3A_306 = arith.cmpi slt, %select_n3A_299, %lt3A_305 : i32
      %ne3A_307 = arith.xori %lt3A_304, %lt3A_306 : i1
      %and3A_308 = arith.andi %ne3A_307, %ne3A_302 : i1
      %add3A_309 = arith.addi %rem3A_300, %select_n3A_299 : i32
      %select_n3A_310 = arith.select %and3A_308, %add3A_309, %rem3A_300 : i32
      %jit3A_311 = arith.constant 4 : i32
      %div3A_312 = arith.divsi %select_n3A_270, %jit3A_311 : i32
      %sign3A_313 = arith.constant 0 : i32
      %sign3A_314 = arith.cmpi sgt, %select_n3A_270, %sign3A_313 : i32
      %sign3A_315 = arith.extui %sign3A_314 : i1 to i32
      %sign3A_316 = arith.constant 0 : i32
      %sign3A_317 = arith.cmpi slt, %select_n3A_270, %sign3A_316 : i32
      %sign3A_318 = arith.extui %sign3A_317 : i1 to i32
      %sign3A_319 = arith.subi %sign3A_315, %sign3A_318 : i32
      %sign3A_320 = arith.constant 0 : i32
      %sign3A_321 = arith.cmpi sgt, %jit3A_311, %sign3A_320 : i32
      %sign3A_322 = arith.extui %sign3A_321 : i1 to i32
      %sign3A_323 = arith.constant 0 : i32
      %sign3A_324 = arith.cmpi slt, %jit3A_311, %sign3A_323 : i32
      %sign3A_325 = arith.extui %sign3A_324 : i1 to i32
      %sign3A_326 = arith.subi %sign3A_322, %sign3A_325 : i32
      %ne3A_327 = arith.cmpi ne, %sign3A_319, %sign3A_326 : i32
      %rem3A_328 = arith.remsi %select_n3A_270, %jit3A_311 : i32
      %ne3A_329 = arith.constant 0 : i32
      %ne3A_330 = arith.cmpi ne, %rem3A_328, %ne3A_329 : i32
      %and3A_331 = arith.andi %ne3A_327, %ne3A_330 : i1
      %sub3A_332 = arith.constant 1 : i32
      %sub3A_333 = arith.subi %div3A_312, %sub3A_332 : i32
      %select_n3A_334 = arith.select %and3A_331, %sub3A_333, %div3A_312 : i32
      %mul3A_335 = arith.constant 8 : i32
      %mul3A_336 = arith.muli %select_n3A_334, %mul3A_335 : i32
      %jit3A_337 = arith.constant 4 : i32
      %eq3A_338 = arith.constant 0 : i32
      %eq3A_339 = arith.cmpi eq, %jit3A_337, %eq3A_338 : i32
      %jit3A_340 = arith.constant 1 : i32
      %select_n3A_341 = arith.select %eq3A_339, %jit3A_340, %jit3A_337 : i32
      %rem3A_342 = arith.remsi %select_n3A_270, %select_n3A_341 : i32
      %ne3A_343 = arith.constant 0 : i32
      %ne3A_344 = arith.cmpi ne, %rem3A_342, %ne3A_343 : i32
      %lt3A_345 = arith.constant 0 : i32
      %lt3A_346 = arith.cmpi slt, %rem3A_342, %lt3A_345 : i32
      %lt3A_347 = arith.constant 0 : i32
      %lt3A_348 = arith.cmpi slt, %select_n3A_341, %lt3A_347 : i32
      %ne3A_349 = arith.xori %lt3A_346, %lt3A_348 : i1
      %and3A_350 = arith.andi %ne3A_349, %ne3A_344 : i1
      %add3A_351 = arith.addi %rem3A_342, %select_n3A_341 : i32
      %select_n3A_352 = arith.select %and3A_350, %add3A_351, %rem3A_342 : i32
      %mul3A_353 = arith.constant 1024 : i32
      %mul3A_354 = arith.muli %select_n3A_352, %mul3A_353 : i32
      %gt3A_355 = arith.constant 0 : i32
      %gt3A_356 = arith.cmpi sgt, %scan3A_85, %gt3A_355 : i32
      %convert_element_type3A_357 = arith.extui %gt3A_356 : i1 to i32
      %cond3A_358 = arith.constant 0 : i32
      %cond3A_359 = arith.cmpi ne, %convert_element_type3A_357, %cond3A_358 : i32
      scf.if %cond3A_359 {
        %dma_wait3A_1358 = arith.constant 1 : i32
        %dma_wait3A_1359 = arith.constant 0 : i32
        %dma_wait3A_1360 = arith.constant 0 : i32
        %dma_wait3A_1361 = arith.constant 0 : i32
        %dma_wait3A_1362 = arith.constant 0 : i32
        %dma_wait3A_1363 = tpu.memref_slice %arg6[%dma_wait3A_1358, %dma_wait3A_1361, %dma_wait3A_1362] : memref<4x8x1024xf32, #tpu.memory_space<vmem>> -> memref<1x8x1024xf32, #tpu.memory_space<vmem>>
        %dma_wait3A_1364 = tpu.memref_squeeze %dma_wait3A_1363 : memref<1x8x1024xf32, #tpu.memory_space<vmem>> -> memref<8x1024xf32, #tpu.memory_space<vmem>>
        %dma_wait3A_1365 = arith.constant 0 : i32
        %dma_wait3A_1366 = arith.constant 0 : i32
        %dma_wait3A_1367 = tpu.memref_slice %arg5[%dma_wait3A_1359, %dma_wait3A_1360, %dma_wait3A_1365, %dma_wait3A_1366] : memref<16x16x64x4096xf32, #tpu.memory_space<hbm>> -> memref<1x1x8x1024xf32, #tpu.memory_space<hbm>>
        %dma_wait3A_1368 = tpu.memref_squeeze %dma_wait3A_1367 : memref<1x1x8x1024xf32, #tpu.memory_space<hbm>> -> memref<8x1024xf32, #tpu.memory_space<hbm>>
        %dma_wait3A_1369 = arith.constant 0 : i32
        %dma_wait3A_1370 = arith.constant 0 : i32
        %dma_wait3A_1371 = tpu.memref_slice %arg5[%dma_wait3A_1359, %dma_wait3A_1360, %dma_wait3A_1369, %dma_wait3A_1370] : memref<16x16x64x4096xf32, #tpu.memory_space<hbm>> -> memref<1x1x8x1024xf32, #tpu.memory_space<hbm>>
        %dma_wait3A_1372 = tpu.memref_squeeze %dma_wait3A_1371 : memref<1x1x8x1024xf32, #tpu.memory_space<hbm>> -> memref<8x1024xf32, #tpu.memory_space<hbm>>
        %dma_wait3A_1373 = arith.constant 0 : i32
        %dma_wait3A_1374 = arith.constant 0 : i32
        %dma_wait3A_1375 = tpu.memref_slice %arg6[%dma_wait3A_1358, %dma_wait3A_1373, %dma_wait3A_1374] : memref<4x8x1024xf32, #tpu.memory_space<vmem>> -> memref<1x8x1024xf32, #tpu.memory_space<vmem>>
        %dma_wait3A_1376 = tpu.memref_squeeze %dma_wait3A_1375 : memref<1x8x1024xf32, #tpu.memory_space<vmem>> -> memref<8x1024xf32, #tpu.memory_space<vmem>>
        tpu.wait_dma2 semaphore(%arg14 : memref<!tpu.dma_semaphore, #tpu.memory_space<semaphore_mem>>) src(%dma_wait3A_1376 : memref<8x1024xf32, #tpu.memory_space<vmem>>) dst(%dma_wait3A_1372 : memref<8x1024xf32, #tpu.memory_space<hbm>>)
      } else {
      }
      %dma_start3A_360 = arith.constant 1 : i32
      %dma_start3A_361 = arith.constant 0 : i32
      %dma_start3A_362 = arith.constant 0 : i32
      %dma_start3A_363 = tpu.memref_slice %arg6[%dma_start3A_360, %dma_start3A_361, %dma_start3A_362] : memref<4x8x1024xf32, #tpu.memory_space<vmem>> -> memref<1x8x1024xf32, #tpu.memory_space<vmem>>
      %dma_start3A_364 = tpu.memref_squeeze %dma_start3A_363 : memref<1x8x1024xf32, #tpu.memory_space<vmem>> -> memref<8x1024xf32, #tpu.memory_space<vmem>>
      %dma_start3A_365 = tpu.memref_slice %arg4[%select_n3A_294, %select_n3A_310, %mul3A_336, %mul3A_354] : memref<16x16x64x4096xf32, #tpu.memory_space<hbm>> -> memref<1x1x8x1024xf32, #tpu.memory_space<hbm>>
      %dma_start3A_366 = tpu.memref_squeeze %dma_start3A_365 : memref<1x1x8x1024xf32, #tpu.memory_space<hbm>> -> memref<8x1024xf32, #tpu.memory_space<hbm>>
      %dma_start3A_367 = arith.constant 0 : i32
      %dma_start3A_368 = arith.constant 0 : i32
      %dma_start3A_369 = tpu.memref_slice %arg6[%dma_start3A_360, %dma_start3A_367, %dma_start3A_368] : memref<4x8x1024xf32, #tpu.memory_space<vmem>> -> memref<1x8x1024xf32, #tpu.memory_space<vmem>>
      %dma_start3A_370 = tpu.memref_squeeze %dma_start3A_369 : memref<1x8x1024xf32, #tpu.memory_space<vmem>> -> memref<8x1024xf32, #tpu.memory_space<vmem>>
      %dma_start3A_371 = tpu.memref_slice %arg4[%select_n3A_294, %select_n3A_310, %mul3A_336, %mul3A_354] : memref<16x16x64x4096xf32, #tpu.memory_space<hbm>> -> memref<1x1x8x1024xf32, #tpu.memory_space<hbm>>
      %dma_start3A_372 = tpu.memref_squeeze %dma_start3A_371 : memref<1x1x8x1024xf32, #tpu.memory_space<hbm>> -> memref<8x1024xf32, #tpu.memory_space<hbm>>
      tpu.enqueue_dma source(%dma_start3A_372 : memref<8x1024xf32, #tpu.memory_space<hbm>>) target(%dma_start3A_370 : memref<8x1024xf32, #tpu.memory_space<vmem>>) target_semaphore(%arg10 : memref<!tpu.dma_semaphore, #tpu.memory_space<semaphore_mem>>)
      %mul3A_373 = arith.constant 4 : i32
      %mul3A_374 = arith.muli %scan3A_85, %mul3A_373 : i32
      %add3A_375 = arith.constant 2 : i32
      %add3A_376 = arith.addi %mul3A_374, %add3A_375 : i32
      %mul3A_377 = arith.constant 8 : i32
      %mul3A_378 = arith.muli %add3A, %mul3A_377 : i32
      %jit3A_379 = arith.constant 32 : i32
      %div3A_380 = arith.divsi %add3A_376, %jit3A_379 : i32
      %sign3A_381 = arith.constant 0 : i32
      %sign3A_382 = arith.cmpi sgt, %add3A_376, %sign3A_381 : i32
      %sign3A_383 = arith.extui %sign3A_382 : i1 to i32
      %sign3A_384 = arith.constant 0 : i32
      %sign3A_385 = arith.cmpi slt, %add3A_376, %sign3A_384 : i32
      %sign3A_386 = arith.extui %sign3A_385 : i1 to i32
      %sign3A_387 = arith.subi %sign3A_383, %sign3A_386 : i32
      %sign3A_388 = arith.constant 0 : i32
      %sign3A_389 = arith.cmpi sgt, %jit3A_379, %sign3A_388 : i32
      %sign3A_390 = arith.extui %sign3A_389 : i1 to i32
      %sign3A_391 = arith.constant 0 : i32
      %sign3A_392 = arith.cmpi slt, %jit3A_379, %sign3A_391 : i32
      %sign3A_393 = arith.extui %sign3A_392 : i1 to i32
      %sign3A_394 = arith.subi %sign3A_390, %sign3A_393 : i32
      %ne3A_395 = arith.cmpi ne, %sign3A_387, %sign3A_394 : i32
      %rem3A_396 = arith.remsi %add3A_376, %jit3A_379 : i32
      %ne3A_397 = arith.constant 0 : i32
      %ne3A_398 = arith.cmpi ne, %rem3A_396, %ne3A_397 : i32
      %and3A_399 = arith.andi %ne3A_395, %ne3A_398 : i1
      %sub3A_400 = arith.constant 1 : i32
      %sub3A_401 = arith.subi %div3A_380, %sub3A_400 : i32
      %select_n3A_402 = arith.select %and3A_399, %sub3A_401, %div3A_380 : i32
      %add3A_403 = arith.addi %mul3A_378, %select_n3A_402 : i32
      %jit3A_404 = arith.constant 32 : i32
      %eq3A_405 = arith.constant 0 : i32
      %eq3A_406 = arith.cmpi eq, %jit3A_404, %eq3A_405 : i32
      %jit3A_407 = arith.constant 1 : i32
      %select_n3A_408 = arith.select %eq3A_406, %jit3A_407, %jit3A_404 : i32
      %rem3A_409 = arith.remsi %add3A_376, %select_n3A_408 : i32
      %ne3A_410 = arith.constant 0 : i32
      %ne3A_411 = arith.cmpi ne, %rem3A_409, %ne3A_410 : i32
      %lt3A_412 = arith.constant 0 : i32
      %lt3A_413 = arith.cmpi slt, %rem3A_409, %lt3A_412 : i32
      %lt3A_414 = arith.constant 0 : i32
      %lt3A_415 = arith.cmpi slt, %select_n3A_408, %lt3A_414 : i32
      %ne3A_416 = arith.xori %lt3A_413, %lt3A_415 : i1
      %and3A_417 = arith.andi %ne3A_416, %ne3A_411 : i1
      %add3A_418 = arith.addi %rem3A_409, %select_n3A_408 : i32
      %select_n3A_419 = arith.select %and3A_417, %add3A_418, %rem3A_409 : i32
      %jit3A_420 = arith.constant 16 : i32
      %div3A_421 = arith.divsi %add3A_403, %jit3A_420 : i32
      %sign3A_422 = arith.constant 0 : i32
      %sign3A_423 = arith.cmpi sgt, %add3A_403, %sign3A_422 : i32
      %sign3A_424 = arith.extui %sign3A_423 : i1 to i32
      %sign3A_425 = arith.constant 0 : i32
      %sign3A_426 = arith.cmpi slt, %add3A_403, %sign3A_425 : i32
      %sign3A_427 = arith.extui %sign3A_426 : i1 to i32
      %sign3A_428 = arith.subi %sign3A_424, %sign3A_427 : i32
      %sign3A_429 = arith.constant 0 : i32
      %sign3A_430 = arith.cmpi sgt, %jit3A_420, %sign3A_429 : i32
      %sign3A_431 = arith.extui %sign3A_430 : i1 to i32
      %sign3A_432 = arith.constant 0 : i32
      %sign3A_433 = arith.cmpi slt, %jit3A_420, %sign3A_432 : i32
      %sign3A_434 = arith.extui %sign3A_433 : i1 to i32
      %sign3A_435 = arith.subi %sign3A_431, %sign3A_434 : i32
      %ne3A_436 = arith.cmpi ne, %sign3A_428, %sign3A_435 : i32
      %rem3A_437 = arith.remsi %add3A_403, %jit3A_420 : i32
      %ne3A_438 = arith.constant 0 : i32
      %ne3A_439 = arith.cmpi ne, %rem3A_437, %ne3A_438 : i32
      %and3A_440 = arith.andi %ne3A_436, %ne3A_439 : i1
      %sub3A_441 = arith.constant 1 : i32
      %sub3A_442 = arith.subi %div3A_421, %sub3A_441 : i32
      %select_n3A_443 = arith.select %and3A_440, %sub3A_442, %div3A_421 : i32
      %jit3A_444 = arith.constant 16 : i32
      %eq3A_445 = arith.constant 0 : i32
      %eq3A_446 = arith.cmpi eq, %jit3A_444, %eq3A_445 : i32
      %jit3A_447 = arith.constant 1 : i32
      %select_n3A_448 = arith.select %eq3A_446, %jit3A_447, %jit3A_444 : i32
      %rem3A_449 = arith.remsi %add3A_403, %select_n3A_448 : i32
      %ne3A_450 = arith.constant 0 : i32
      %ne3A_451 = arith.cmpi ne, %rem3A_449, %ne3A_450 : i32
      %lt3A_452 = arith.constant 0 : i32
      %lt3A_453 = arith.cmpi slt, %rem3A_449, %lt3A_452 : i32
      %lt3A_454 = arith.constant 0 : i32
      %lt3A_455 = arith.cmpi slt, %select_n3A_448, %lt3A_454 : i32
      %ne3A_456 = arith.xori %lt3A_453, %lt3A_455 : i1
      %and3A_457 = arith.andi %ne3A_456, %ne3A_451 : i1
      %add3A_458 = arith.addi %rem3A_449, %select_n3A_448 : i32
      %select_n3A_459 = arith.select %and3A_457, %add3A_458, %rem3A_449 : i32
      %jit3A_460 = arith.constant 4 : i32
      %div3A_461 = arith.divsi %select_n3A_419, %jit3A_460 : i32
      %sign3A_462 = arith.constant 0 : i32
      %sign3A_463 = arith.cmpi sgt, %select_n3A_419, %sign3A_462 : i32
      %sign3A_464 = arith.extui %sign3A_463 : i1 to i32
      %sign3A_465 = arith.constant 0 : i32
      %sign3A_466 = arith.cmpi slt, %select_n3A_419, %sign3A_465 : i32
      %sign3A_467 = arith.extui %sign3A_466 : i1 to i32
      %sign3A_468 = arith.subi %sign3A_464, %sign3A_467 : i32
      %sign3A_469 = arith.constant 0 : i32
      %sign3A_470 = arith.cmpi sgt, %jit3A_460, %sign3A_469 : i32
      %sign3A_471 = arith.extui %sign3A_470 : i1 to i32
      %sign3A_472 = arith.constant 0 : i32
      %sign3A_473 = arith.cmpi slt, %jit3A_460, %sign3A_472 : i32
      %sign3A_474 = arith.extui %sign3A_473 : i1 to i32
      %sign3A_475 = arith.subi %sign3A_471, %sign3A_474 : i32
      %ne3A_476 = arith.cmpi ne, %sign3A_468, %sign3A_475 : i32
      %rem3A_477 = arith.remsi %select_n3A_419, %jit3A_460 : i32
      %ne3A_478 = arith.constant 0 : i32
      %ne3A_479 = arith.cmpi ne, %rem3A_477, %ne3A_478 : i32
      %and3A_480 = arith.andi %ne3A_476, %ne3A_479 : i1
      %sub3A_481 = arith.constant 1 : i32
      %sub3A_482 = arith.subi %div3A_461, %sub3A_481 : i32
      %select_n3A_483 = arith.select %and3A_480, %sub3A_482, %div3A_461 : i32
      %mul3A_484 = arith.constant 8 : i32
      %mul3A_485 = arith.muli %select_n3A_483, %mul3A_484 : i32
      %jit3A_486 = arith.constant 4 : i32
      %eq3A_487 = arith.constant 0 : i32
      %eq3A_488 = arith.cmpi eq, %jit3A_486, %eq3A_487 : i32
      %jit3A_489 = arith.constant 1 : i32
      %select_n3A_490 = arith.select %eq3A_488, %jit3A_489, %jit3A_486 : i32
      %rem3A_491 = arith.remsi %select_n3A_419, %select_n3A_490 : i32
      %ne3A_492 = arith.constant 0 : i32
      %ne3A_493 = arith.cmpi ne, %rem3A_491, %ne3A_492 : i32
      %lt3A_494 = arith.constant 0 : i32
      %lt3A_495 = arith.cmpi slt, %rem3A_491, %lt3A_494 : i32
      %lt3A_496 = arith.constant 0 : i32
      %lt3A_497 = arith.cmpi slt, %select_n3A_490, %lt3A_496 : i32
      %ne3A_498 = arith.xori %lt3A_495, %lt3A_497 : i1
      %and3A_499 = arith.andi %ne3A_498, %ne3A_493 : i1
      %add3A_500 = arith.addi %rem3A_491, %select_n3A_490 : i32
      %select_n3A_501 = arith.select %and3A_499, %add3A_500, %rem3A_491 : i32
      %mul3A_502 = arith.constant 1024 : i32
      %mul3A_503 = arith.muli %select_n3A_501, %mul3A_502 : i32
      %gt3A_504 = arith.constant 0 : i32
      %gt3A_505 = arith.cmpi sgt, %scan3A_85, %gt3A_504 : i32
      %convert_element_type3A_506 = arith.extui %gt3A_505 : i1 to i32
      %cond3A_507 = arith.constant 0 : i32
      %cond3A_508 = arith.cmpi ne, %convert_element_type3A_506, %cond3A_507 : i32
      scf.if %cond3A_508 {
        %dma_wait3A_1358 = arith.constant 2 : i32
        %dma_wait3A_1359 = arith.constant 0 : i32
        %dma_wait3A_1360 = arith.constant 0 : i32
        %dma_wait3A_1361 = arith.constant 0 : i32
        %dma_wait3A_1362 = arith.constant 0 : i32
        %dma_wait3A_1363 = tpu.memref_slice %arg6[%dma_wait3A_1358, %dma_wait3A_1361, %dma_wait3A_1362] : memref<4x8x1024xf32, #tpu.memory_space<vmem>> -> memref<1x8x1024xf32, #tpu.memory_space<vmem>>
        %dma_wait3A_1364 = tpu.memref_squeeze %dma_wait3A_1363 : memref<1x8x1024xf32, #tpu.memory_space<vmem>> -> memref<8x1024xf32, #tpu.memory_space<vmem>>
        %dma_wait3A_1365 = arith.constant 0 : i32
        %dma_wait3A_1366 = arith.constant 0 : i32
        %dma_wait3A_1367 = tpu.memref_slice %arg5[%dma_wait3A_1359, %dma_wait3A_1360, %dma_wait3A_1365, %dma_wait3A_1366] : memref<16x16x64x4096xf32, #tpu.memory_space<hbm>> -> memref<1x1x8x1024xf32, #tpu.memory_space<hbm>>
        %dma_wait3A_1368 = tpu.memref_squeeze %dma_wait3A_1367 : memref<1x1x8x1024xf32, #tpu.memory_space<hbm>> -> memref<8x1024xf32, #tpu.memory_space<hbm>>
        %dma_wait3A_1369 = arith.constant 0 : i32
        %dma_wait3A_1370 = arith.constant 0 : i32
        %dma_wait3A_1371 = tpu.memref_slice %arg5[%dma_wait3A_1359, %dma_wait3A_1360, %dma_wait3A_1369, %dma_wait3A_1370] : memref<16x16x64x4096xf32, #tpu.memory_space<hbm>> -> memref<1x1x8x1024xf32, #tpu.memory_space<hbm>>
        %dma_wait3A_1372 = tpu.memref_squeeze %dma_wait3A_1371 : memref<1x1x8x1024xf32, #tpu.memory_space<hbm>> -> memref<8x1024xf32, #tpu.memory_space<hbm>>
        %dma_wait3A_1373 = arith.constant 0 : i32
        %dma_wait3A_1374 = arith.constant 0 : i32
        %dma_wait3A_1375 = tpu.memref_slice %arg6[%dma_wait3A_1358, %dma_wait3A_1373, %dma_wait3A_1374] : memref<4x8x1024xf32, #tpu.memory_space<vmem>> -> memref<1x8x1024xf32, #tpu.memory_space<vmem>>
        %dma_wait3A_1376 = tpu.memref_squeeze %dma_wait3A_1375 : memref<1x8x1024xf32, #tpu.memory_space<vmem>> -> memref<8x1024xf32, #tpu.memory_space<vmem>>
        tpu.wait_dma2 semaphore(%arg15 : memref<!tpu.dma_semaphore, #tpu.memory_space<semaphore_mem>>) src(%dma_wait3A_1376 : memref<8x1024xf32, #tpu.memory_space<vmem>>) dst(%dma_wait3A_1372 : memref<8x1024xf32, #tpu.memory_space<hbm>>)
      } else {
      }
      %dma_start3A_509 = arith.constant 2 : i32
      %dma_start3A_510 = arith.constant 0 : i32
      %dma_start3A_511 = arith.constant 0 : i32
      %dma_start3A_512 = tpu.memref_slice %arg6[%dma_start3A_509, %dma_start3A_510, %dma_start3A_511] : memref<4x8x1024xf32, #tpu.memory_space<vmem>> -> memref<1x8x1024xf32, #tpu.memory_space<vmem>>
      %dma_start3A_513 = tpu.memref_squeeze %dma_start3A_512 : memref<1x8x1024xf32, #tpu.memory_space<vmem>> -> memref<8x1024xf32, #tpu.memory_space<vmem>>
      %dma_start3A_514 = tpu.memref_slice %arg4[%select_n3A_443, %select_n3A_459, %mul3A_485, %mul3A_503] : memref<16x16x64x4096xf32, #tpu.memory_space<hbm>> -> memref<1x1x8x1024xf32, #tpu.memory_space<hbm>>
      %dma_start3A_515 = tpu.memref_squeeze %dma_start3A_514 : memref<1x1x8x1024xf32, #tpu.memory_space<hbm>> -> memref<8x1024xf32, #tpu.memory_space<hbm>>
      %dma_start3A_516 = arith.constant 0 : i32
      %dma_start3A_517 = arith.constant 0 : i32
      %dma_start3A_518 = tpu.memref_slice %arg6[%dma_start3A_509, %dma_start3A_516, %dma_start3A_517] : memref<4x8x1024xf32, #tpu.memory_space<vmem>> -> memref<1x8x1024xf32, #tpu.memory_space<vmem>>
      %dma_start3A_519 = tpu.memref_squeeze %dma_start3A_518 : memref<1x8x1024xf32, #tpu.memory_space<vmem>> -> memref<8x1024xf32, #tpu.memory_space<vmem>>
      %dma_start3A_520 = tpu.memref_slice %arg4[%select_n3A_443, %select_n3A_459, %mul3A_485, %mul3A_503] : memref<16x16x64x4096xf32, #tpu.memory_space<hbm>> -> memref<1x1x8x1024xf32, #tpu.memory_space<hbm>>
      %dma_start3A_521 = tpu.memref_squeeze %dma_start3A_520 : memref<1x1x8x1024xf32, #tpu.memory_space<hbm>> -> memref<8x1024xf32, #tpu.memory_space<hbm>>
      tpu.enqueue_dma source(%dma_start3A_521 : memref<8x1024xf32, #tpu.memory_space<hbm>>) target(%dma_start3A_519 : memref<8x1024xf32, #tpu.memory_space<vmem>>) target_semaphore(%arg11 : memref<!tpu.dma_semaphore, #tpu.memory_space<semaphore_mem>>)
      %mul3A_522 = arith.constant 4 : i32
      %mul3A_523 = arith.muli %scan3A_85, %mul3A_522 : i32
      %add3A_524 = arith.constant 3 : i32
      %add3A_525 = arith.addi %mul3A_523, %add3A_524 : i32
      %mul3A_526 = arith.constant 8 : i32
      %mul3A_527 = arith.muli %add3A, %mul3A_526 : i32
      %jit3A_528 = arith.constant 32 : i32
      %div3A_529 = arith.divsi %add3A_525, %jit3A_528 : i32
      %sign3A_530 = arith.constant 0 : i32
      %sign3A_531 = arith.cmpi sgt, %add3A_525, %sign3A_530 : i32
      %sign3A_532 = arith.extui %sign3A_531 : i1 to i32
      %sign3A_533 = arith.constant 0 : i32
      %sign3A_534 = arith.cmpi slt, %add3A_525, %sign3A_533 : i32
      %sign3A_535 = arith.extui %sign3A_534 : i1 to i32
      %sign3A_536 = arith.subi %sign3A_532, %sign3A_535 : i32
      %sign3A_537 = arith.constant 0 : i32
      %sign3A_538 = arith.cmpi sgt, %jit3A_528, %sign3A_537 : i32
      %sign3A_539 = arith.extui %sign3A_538 : i1 to i32
      %sign3A_540 = arith.constant 0 : i32
      %sign3A_541 = arith.cmpi slt, %jit3A_528, %sign3A_540 : i32
      %sign3A_542 = arith.extui %sign3A_541 : i1 to i32
      %sign3A_543 = arith.subi %sign3A_539, %sign3A_542 : i32
      %ne3A_544 = arith.cmpi ne, %sign3A_536, %sign3A_543 : i32
      %rem3A_545 = arith.remsi %add3A_525, %jit3A_528 : i32
      %ne3A_546 = arith.constant 0 : i32
      %ne3A_547 = arith.cmpi ne, %rem3A_545, %ne3A_546 : i32
      %and3A_548 = arith.andi %ne3A_544, %ne3A_547 : i1
      %sub3A_549 = arith.constant 1 : i32
      %sub3A_550 = arith.subi %div3A_529, %sub3A_549 : i32
      %select_n3A_551 = arith.select %and3A_548, %sub3A_550, %div3A_529 : i32
      %add3A_552 = arith.addi %mul3A_527, %select_n3A_551 : i32
      %jit3A_553 = arith.constant 32 : i32
      %eq3A_554 = arith.constant 0 : i32
      %eq3A_555 = arith.cmpi eq, %jit3A_553, %eq3A_554 : i32
      %jit3A_556 = arith.constant 1 : i32
      %select_n3A_557 = arith.select %eq3A_555, %jit3A_556, %jit3A_553 : i32
      %rem3A_558 = arith.remsi %add3A_525, %select_n3A_557 : i32
      %ne3A_559 = arith.constant 0 : i32
      %ne3A_560 = arith.cmpi ne, %rem3A_558, %ne3A_559 : i32
      %lt3A_561 = arith.constant 0 : i32
      %lt3A_562 = arith.cmpi slt, %rem3A_558, %lt3A_561 : i32
      %lt3A_563 = arith.constant 0 : i32
      %lt3A_564 = arith.cmpi slt, %select_n3A_557, %lt3A_563 : i32
      %ne3A_565 = arith.xori %lt3A_562, %lt3A_564 : i1
      %and3A_566 = arith.andi %ne3A_565, %ne3A_560 : i1
      %add3A_567 = arith.addi %rem3A_558, %select_n3A_557 : i32
      %select_n3A_568 = arith.select %and3A_566, %add3A_567, %rem3A_558 : i32
      %jit3A_569 = arith.constant 16 : i32
      %div3A_570 = arith.divsi %add3A_552, %jit3A_569 : i32
      %sign3A_571 = arith.constant 0 : i32
      %sign3A_572 = arith.cmpi sgt, %add3A_552, %sign3A_571 : i32
      %sign3A_573 = arith.extui %sign3A_572 : i1 to i32
      %sign3A_574 = arith.constant 0 : i32
      %sign3A_575 = arith.cmpi slt, %add3A_552, %sign3A_574 : i32
      %sign3A_576 = arith.extui %sign3A_575 : i1 to i32
      %sign3A_577 = arith.subi %sign3A_573, %sign3A_576 : i32
      %sign3A_578 = arith.constant 0 : i32
      %sign3A_579 = arith.cmpi sgt, %jit3A_569, %sign3A_578 : i32
      %sign3A_580 = arith.extui %sign3A_579 : i1 to i32
      %sign3A_581 = arith.constant 0 : i32
      %sign3A_582 = arith.cmpi slt, %jit3A_569, %sign3A_581 : i32
      %sign3A_583 = arith.extui %sign3A_582 : i1 to i32
      %sign3A_584 = arith.subi %sign3A_580, %sign3A_583 : i32
      %ne3A_585 = arith.cmpi ne, %sign3A_577, %sign3A_584 : i32
      %rem3A_586 = arith.remsi %add3A_552, %jit3A_569 : i32
      %ne3A_587 = arith.constant 0 : i32
      %ne3A_588 = arith.cmpi ne, %rem3A_586, %ne3A_587 : i32
      %and3A_589 = arith.andi %ne3A_585, %ne3A_588 : i1
      %sub3A_590 = arith.constant 1 : i32
      %sub3A_591 = arith.subi %div3A_570, %sub3A_590 : i32
      %select_n3A_592 = arith.select %and3A_589, %sub3A_591, %div3A_570 : i32
      %jit3A_593 = arith.constant 16 : i32
      %eq3A_594 = arith.constant 0 : i32
      %eq3A_595 = arith.cmpi eq, %jit3A_593, %eq3A_594 : i32
      %jit3A_596 = arith.constant 1 : i32
      %select_n3A_597 = arith.select %eq3A_595, %jit3A_596, %jit3A_593 : i32
      %rem3A_598 = arith.remsi %add3A_552, %select_n3A_597 : i32
      %ne3A_599 = arith.constant 0 : i32
      %ne3A_600 = arith.cmpi ne, %rem3A_598, %ne3A_599 : i32
      %lt3A_601 = arith.constant 0 : i32
      %lt3A_602 = arith.cmpi slt, %rem3A_598, %lt3A_601 : i32
      %lt3A_603 = arith.constant 0 : i32
      %lt3A_604 = arith.cmpi slt, %select_n3A_597, %lt3A_603 : i32
      %ne3A_605 = arith.xori %lt3A_602, %lt3A_604 : i1
      %and3A_606 = arith.andi %ne3A_605, %ne3A_600 : i1
      %add3A_607 = arith.addi %rem3A_598, %select_n3A_597 : i32
      %select_n3A_608 = arith.select %and3A_606, %add3A_607, %rem3A_598 : i32
      %jit3A_609 = arith.constant 4 : i32
      %div3A_610 = arith.divsi %select_n3A_568, %jit3A_609 : i32
      %sign3A_611 = arith.constant 0 : i32
      %sign3A_612 = arith.cmpi sgt, %select_n3A_568, %sign3A_611 : i32
      %sign3A_613 = arith.extui %sign3A_612 : i1 to i32
      %sign3A_614 = arith.constant 0 : i32
      %sign3A_615 = arith.cmpi slt, %select_n3A_568, %sign3A_614 : i32
      %sign3A_616 = arith.extui %sign3A_615 : i1 to i32
      %sign3A_617 = arith.subi %sign3A_613, %sign3A_616 : i32
      %sign3A_618 = arith.constant 0 : i32
      %sign3A_619 = arith.cmpi sgt, %jit3A_609, %sign3A_618 : i32
      %sign3A_620 = arith.extui %sign3A_619 : i1 to i32
      %sign3A_621 = arith.constant 0 : i32
      %sign3A_622 = arith.cmpi slt, %jit3A_609, %sign3A_621 : i32
      %sign3A_623 = arith.extui %sign3A_622 : i1 to i32
      %sign3A_624 = arith.subi %sign3A_620, %sign3A_623 : i32
      %ne3A_625 = arith.cmpi ne, %sign3A_617, %sign3A_624 : i32
      %rem3A_626 = arith.remsi %select_n3A_568, %jit3A_609 : i32
      %ne3A_627 = arith.constant 0 : i32
      %ne3A_628 = arith.cmpi ne, %rem3A_626, %ne3A_627 : i32
      %and3A_629 = arith.andi %ne3A_625, %ne3A_628 : i1
      %sub3A_630 = arith.constant 1 : i32
      %sub3A_631 = arith.subi %div3A_610, %sub3A_630 : i32
      %select_n3A_632 = arith.select %and3A_629, %sub3A_631, %div3A_610 : i32
      %mul3A_633 = arith.constant 8 : i32
      %mul3A_634 = arith.muli %select_n3A_632, %mul3A_633 : i32
      %jit3A_635 = arith.constant 4 : i32
      %eq3A_636 = arith.constant 0 : i32
      %eq3A_637 = arith.cmpi eq, %jit3A_635, %eq3A_636 : i32
      %jit3A_638 = arith.constant 1 : i32
      %select_n3A_639 = arith.select %eq3A_637, %jit3A_638, %jit3A_635 : i32
      %rem3A_640 = arith.remsi %select_n3A_568, %select_n3A_639 : i32
      %ne3A_641 = arith.constant 0 : i32
      %ne3A_642 = arith.cmpi ne, %rem3A_640, %ne3A_641 : i32
      %lt3A_643 = arith.constant 0 : i32
      %lt3A_644 = arith.cmpi slt, %rem3A_640, %lt3A_643 : i32
      %lt3A_645 = arith.constant 0 : i32
      %lt3A_646 = arith.cmpi slt, %select_n3A_639, %lt3A_645 : i32
      %ne3A_647 = arith.xori %lt3A_644, %lt3A_646 : i1
      %and3A_648 = arith.andi %ne3A_647, %ne3A_642 : i1
      %add3A_649 = arith.addi %rem3A_640, %select_n3A_639 : i32
      %select_n3A_650 = arith.select %and3A_648, %add3A_649, %rem3A_640 : i32
      %mul3A_651 = arith.constant 1024 : i32
      %mul3A_652 = arith.muli %select_n3A_650, %mul3A_651 : i32
      %gt3A_653 = arith.constant 0 : i32
      %gt3A_654 = arith.cmpi sgt, %scan3A_85, %gt3A_653 : i32
      %convert_element_type3A_655 = arith.extui %gt3A_654 : i1 to i32
      %cond3A_656 = arith.constant 0 : i32
      %cond3A_657 = arith.cmpi ne, %convert_element_type3A_655, %cond3A_656 : i32
      scf.if %cond3A_657 {
        %dma_wait3A_1358 = arith.constant 3 : i32
        %dma_wait3A_1359 = arith.constant 0 : i32
        %dma_wait3A_1360 = arith.constant 0 : i32
        %dma_wait3A_1361 = arith.constant 0 : i32
        %dma_wait3A_1362 = arith.constant 0 : i32
        %dma_wait3A_1363 = tpu.memref_slice %arg6[%dma_wait3A_1358, %dma_wait3A_1361, %dma_wait3A_1362] : memref<4x8x1024xf32, #tpu.memory_space<vmem>> -> memref<1x8x1024xf32, #tpu.memory_space<vmem>>
        %dma_wait3A_1364 = tpu.memref_squeeze %dma_wait3A_1363 : memref<1x8x1024xf32, #tpu.memory_space<vmem>> -> memref<8x1024xf32, #tpu.memory_space<vmem>>
        %dma_wait3A_1365 = arith.constant 0 : i32
        %dma_wait3A_1366 = arith.constant 0 : i32
        %dma_wait3A_1367 = tpu.memref_slice %arg5[%dma_wait3A_1359, %dma_wait3A_1360, %dma_wait3A_1365, %dma_wait3A_1366] : memref<16x16x64x4096xf32, #tpu.memory_space<hbm>> -> memref<1x1x8x1024xf32, #tpu.memory_space<hbm>>
        %dma_wait3A_1368 = tpu.memref_squeeze %dma_wait3A_1367 : memref<1x1x8x1024xf32, #tpu.memory_space<hbm>> -> memref<8x1024xf32, #tpu.memory_space<hbm>>
        %dma_wait3A_1369 = arith.constant 0 : i32
        %dma_wait3A_1370 = arith.constant 0 : i32
        %dma_wait3A_1371 = tpu.memref_slice %arg5[%dma_wait3A_1359, %dma_wait3A_1360, %dma_wait3A_1369, %dma_wait3A_1370] : memref<16x16x64x4096xf32, #tpu.memory_space<hbm>> -> memref<1x1x8x1024xf32, #tpu.memory_space<hbm>>
        %dma_wait3A_1372 = tpu.memref_squeeze %dma_wait3A_1371 : memref<1x1x8x1024xf32, #tpu.memory_space<hbm>> -> memref<8x1024xf32, #tpu.memory_space<hbm>>
        %dma_wait3A_1373 = arith.constant 0 : i32
        %dma_wait3A_1374 = arith.constant 0 : i32
        %dma_wait3A_1375 = tpu.memref_slice %arg6[%dma_wait3A_1358, %dma_wait3A_1373, %dma_wait3A_1374] : memref<4x8x1024xf32, #tpu.memory_space<vmem>> -> memref<1x8x1024xf32, #tpu.memory_space<vmem>>
        %dma_wait3A_1376 = tpu.memref_squeeze %dma_wait3A_1375 : memref<1x8x1024xf32, #tpu.memory_space<vmem>> -> memref<8x1024xf32, #tpu.memory_space<vmem>>
        tpu.wait_dma2 semaphore(%arg16 : memref<!tpu.dma_semaphore, #tpu.memory_space<semaphore_mem>>) src(%dma_wait3A_1376 : memref<8x1024xf32, #tpu.memory_space<vmem>>) dst(%dma_wait3A_1372 : memref<8x1024xf32, #tpu.memory_space<hbm>>)
      } else {
      }
      %dma_start3A_658 = arith.constant 3 : i32
      %dma_start3A_659 = arith.constant 0 : i32
      %dma_start3A_660 = arith.constant 0 : i32
      %dma_start3A_661 = tpu.memref_slice %arg6[%dma_start3A_658, %dma_start3A_659, %dma_start3A_660] : memref<4x8x1024xf32, #tpu.memory_space<vmem>> -> memref<1x8x1024xf32, #tpu.memory_space<vmem>>
      %dma_start3A_662 = tpu.memref_squeeze %dma_start3A_661 : memref<1x8x1024xf32, #tpu.memory_space<vmem>> -> memref<8x1024xf32, #tpu.memory_space<vmem>>
      %dma_start3A_663 = tpu.memref_slice %arg4[%select_n3A_592, %select_n3A_608, %mul3A_634, %mul3A_652] : memref<16x16x64x4096xf32, #tpu.memory_space<hbm>> -> memref<1x1x8x1024xf32, #tpu.memory_space<hbm>>
      %dma_start3A_664 = tpu.memref_squeeze %dma_start3A_663 : memref<1x1x8x1024xf32, #tpu.memory_space<hbm>> -> memref<8x1024xf32, #tpu.memory_space<hbm>>
      %dma_start3A_665 = arith.constant 0 : i32
      %dma_start3A_666 = arith.constant 0 : i32
      %dma_start3A_667 = tpu.memref_slice %arg6[%dma_start3A_658, %dma_start3A_665, %dma_start3A_666] : memref<4x8x1024xf32, #tpu.memory_space<vmem>> -> memref<1x8x1024xf32, #tpu.memory_space<vmem>>
      %dma_start3A_668 = tpu.memref_squeeze %dma_start3A_667 : memref<1x8x1024xf32, #tpu.memory_space<vmem>> -> memref<8x1024xf32, #tpu.memory_space<vmem>>
      %dma_start3A_669 = tpu.memref_slice %arg4[%select_n3A_592, %select_n3A_608, %mul3A_634, %mul3A_652] : memref<16x16x64x4096xf32, #tpu.memory_space<hbm>> -> memref<1x1x8x1024xf32, #tpu.memory_space<hbm>>
      %dma_start3A_670 = tpu.memref_squeeze %dma_start3A_669 : memref<1x1x8x1024xf32, #tpu.memory_space<hbm>> -> memref<8x1024xf32, #tpu.memory_space<hbm>>
      tpu.enqueue_dma source(%dma_start3A_670 : memref<8x1024xf32, #tpu.memory_space<hbm>>) target(%dma_start3A_668 : memref<8x1024xf32, #tpu.memory_space<vmem>>) target_semaphore(%arg12 : memref<!tpu.dma_semaphore, #tpu.memory_space<semaphore_mem>>)
      %mul3A_671 = arith.constant 4 : i32
      %mul3A_672 = arith.muli %scan3A_85, %mul3A_671 : i32
      %add3A_673 = arith.constant 0 : i32
      %add3A_674 = arith.addi %mul3A_672, %add3A_673 : i32
      %mul3A_675 = arith.constant 8 : i32
      %mul3A_676 = arith.muli %add3A, %mul3A_675 : i32
      %jit3A_677 = arith.constant 32 : i32
      %div3A_678 = arith.divsi %add3A_674, %jit3A_677 : i32
      %sign3A_679 = arith.constant 0 : i32
      %sign3A_680 = arith.cmpi sgt, %add3A_674, %sign3A_679 : i32
      %sign3A_681 = arith.extui %sign3A_680 : i1 to i32
      %sign3A_682 = arith.constant 0 : i32
      %sign3A_683 = arith.cmpi slt, %add3A_674, %sign3A_682 : i32
      %sign3A_684 = arith.extui %sign3A_683 : i1 to i32
      %sign3A_685 = arith.subi %sign3A_681, %sign3A_684 : i32
      %sign3A_686 = arith.constant 0 : i32
      %sign3A_687 = arith.cmpi sgt, %jit3A_677, %sign3A_686 : i32
      %sign3A_688 = arith.extui %sign3A_687 : i1 to i32
      %sign3A_689 = arith.constant 0 : i32
      %sign3A_690 = arith.cmpi slt, %jit3A_677, %sign3A_689 : i32
      %sign3A_691 = arith.extui %sign3A_690 : i1 to i32
      %sign3A_692 = arith.subi %sign3A_688, %sign3A_691 : i32
      %ne3A_693 = arith.cmpi ne, %sign3A_685, %sign3A_692 : i32
      %rem3A_694 = arith.remsi %add3A_674, %jit3A_677 : i32
      %ne3A_695 = arith.constant 0 : i32
      %ne3A_696 = arith.cmpi ne, %rem3A_694, %ne3A_695 : i32
      %and3A_697 = arith.andi %ne3A_693, %ne3A_696 : i1
      %sub3A_698 = arith.constant 1 : i32
      %sub3A_699 = arith.subi %div3A_678, %sub3A_698 : i32
      %select_n3A_700 = arith.select %and3A_697, %sub3A_699, %div3A_678 : i32
      %add3A_701 = arith.addi %mul3A_676, %select_n3A_700 : i32
      %jit3A_702 = arith.constant 32 : i32
      %eq3A_703 = arith.constant 0 : i32
      %eq3A_704 = arith.cmpi eq, %jit3A_702, %eq3A_703 : i32
      %jit3A_705 = arith.constant 1 : i32
      %select_n3A_706 = arith.select %eq3A_704, %jit3A_705, %jit3A_702 : i32
      %rem3A_707 = arith.remsi %add3A_674, %select_n3A_706 : i32
      %ne3A_708 = arith.constant 0 : i32
      %ne3A_709 = arith.cmpi ne, %rem3A_707, %ne3A_708 : i32
      %lt3A_710 = arith.constant 0 : i32
      %lt3A_711 = arith.cmpi slt, %rem3A_707, %lt3A_710 : i32
      %lt3A_712 = arith.constant 0 : i32
      %lt3A_713 = arith.cmpi slt, %select_n3A_706, %lt3A_712 : i32
      %ne3A_714 = arith.xori %lt3A_711, %lt3A_713 : i1
      %and3A_715 = arith.andi %ne3A_714, %ne3A_709 : i1
      %add3A_716 = arith.addi %rem3A_707, %select_n3A_706 : i32
      %select_n3A_717 = arith.select %and3A_715, %add3A_716, %rem3A_707 : i32
      %jit3A_718 = arith.constant 16 : i32
      %div3A_719 = arith.divsi %add3A_701, %jit3A_718 : i32
      %sign3A_720 = arith.constant 0 : i32
      %sign3A_721 = arith.cmpi sgt, %add3A_701, %sign3A_720 : i32
      %sign3A_722 = arith.extui %sign3A_721 : i1 to i32
      %sign3A_723 = arith.constant 0 : i32
      %sign3A_724 = arith.cmpi slt, %add3A_701, %sign3A_723 : i32
      %sign3A_725 = arith.extui %sign3A_724 : i1 to i32
      %sign3A_726 = arith.subi %sign3A_722, %sign3A_725 : i32
      %sign3A_727 = arith.constant 0 : i32
      %sign3A_728 = arith.cmpi sgt, %jit3A_718, %sign3A_727 : i32
      %sign3A_729 = arith.extui %sign3A_728 : i1 to i32
      %sign3A_730 = arith.constant 0 : i32
      %sign3A_731 = arith.cmpi slt, %jit3A_718, %sign3A_730 : i32
      %sign3A_732 = arith.extui %sign3A_731 : i1 to i32
      %sign3A_733 = arith.subi %sign3A_729, %sign3A_732 : i32
      %ne3A_734 = arith.cmpi ne, %sign3A_726, %sign3A_733 : i32
      %rem3A_735 = arith.remsi %add3A_701, %jit3A_718 : i32
      %ne3A_736 = arith.constant 0 : i32
      %ne3A_737 = arith.cmpi ne, %rem3A_735, %ne3A_736 : i32
      %and3A_738 = arith.andi %ne3A_734, %ne3A_737 : i1
      %sub3A_739 = arith.constant 1 : i32
      %sub3A_740 = arith.subi %div3A_719, %sub3A_739 : i32
      %select_n3A_741 = arith.select %and3A_738, %sub3A_740, %div3A_719 : i32
      %jit3A_742 = arith.constant 16 : i32
      %eq3A_743 = arith.constant 0 : i32
      %eq3A_744 = arith.cmpi eq, %jit3A_742, %eq3A_743 : i32
      %jit3A_745 = arith.constant 1 : i32
      %select_n3A_746 = arith.select %eq3A_744, %jit3A_745, %jit3A_742 : i32
      %rem3A_747 = arith.remsi %add3A_701, %select_n3A_746 : i32
      %ne3A_748 = arith.constant 0 : i32
      %ne3A_749 = arith.cmpi ne, %rem3A_747, %ne3A_748 : i32
      %lt3A_750 = arith.constant 0 : i32
      %lt3A_751 = arith.cmpi slt, %rem3A_747, %lt3A_750 : i32
      %lt3A_752 = arith.constant 0 : i32
      %lt3A_753 = arith.cmpi slt, %select_n3A_746, %lt3A_752 : i32
      %ne3A_754 = arith.xori %lt3A_751, %lt3A_753 : i1
      %and3A_755 = arith.andi %ne3A_754, %ne3A_749 : i1
      %add3A_756 = arith.addi %rem3A_747, %select_n3A_746 : i32
      %select_n3A_757 = arith.select %and3A_755, %add3A_756, %rem3A_747 : i32
      %jit3A_758 = arith.constant 4 : i32
      %div3A_759 = arith.divsi %select_n3A_717, %jit3A_758 : i32
      %sign3A_760 = arith.constant 0 : i32
      %sign3A_761 = arith.cmpi sgt, %select_n3A_717, %sign3A_760 : i32
      %sign3A_762 = arith.extui %sign3A_761 : i1 to i32
      %sign3A_763 = arith.constant 0 : i32
      %sign3A_764 = arith.cmpi slt, %select_n3A_717, %sign3A_763 : i32
      %sign3A_765 = arith.extui %sign3A_764 : i1 to i32
      %sign3A_766 = arith.subi %sign3A_762, %sign3A_765 : i32
      %sign3A_767 = arith.constant 0 : i32
      %sign3A_768 = arith.cmpi sgt, %jit3A_758, %sign3A_767 : i32
      %sign3A_769 = arith.extui %sign3A_768 : i1 to i32
      %sign3A_770 = arith.constant 0 : i32
      %sign3A_771 = arith.cmpi slt, %jit3A_758, %sign3A_770 : i32
      %sign3A_772 = arith.extui %sign3A_771 : i1 to i32
      %sign3A_773 = arith.subi %sign3A_769, %sign3A_772 : i32
      %ne3A_774 = arith.cmpi ne, %sign3A_766, %sign3A_773 : i32
      %rem3A_775 = arith.remsi %select_n3A_717, %jit3A_758 : i32
      %ne3A_776 = arith.constant 0 : i32
      %ne3A_777 = arith.cmpi ne, %rem3A_775, %ne3A_776 : i32
      %and3A_778 = arith.andi %ne3A_774, %ne3A_777 : i1
      %sub3A_779 = arith.constant 1 : i32
      %sub3A_780 = arith.subi %div3A_759, %sub3A_779 : i32
      %select_n3A_781 = arith.select %and3A_778, %sub3A_780, %div3A_759 : i32
      %mul3A_782 = arith.constant 8 : i32
      %mul3A_783 = arith.muli %select_n3A_781, %mul3A_782 : i32
      %jit3A_784 = arith.constant 4 : i32
      %eq3A_785 = arith.constant 0 : i32
      %eq3A_786 = arith.cmpi eq, %jit3A_784, %eq3A_785 : i32
      %jit3A_787 = arith.constant 1 : i32
      %select_n3A_788 = arith.select %eq3A_786, %jit3A_787, %jit3A_784 : i32
      %rem3A_789 = arith.remsi %select_n3A_717, %select_n3A_788 : i32
      %ne3A_790 = arith.constant 0 : i32
      %ne3A_791 = arith.cmpi ne, %rem3A_789, %ne3A_790 : i32
      %lt3A_792 = arith.constant 0 : i32
      %lt3A_793 = arith.cmpi slt, %rem3A_789, %lt3A_792 : i32
      %lt3A_794 = arith.constant 0 : i32
      %lt3A_795 = arith.cmpi slt, %select_n3A_788, %lt3A_794 : i32
      %ne3A_796 = arith.xori %lt3A_793, %lt3A_795 : i1
      %and3A_797 = arith.andi %ne3A_796, %ne3A_791 : i1
      %add3A_798 = arith.addi %rem3A_789, %select_n3A_788 : i32
      %select_n3A_799 = arith.select %and3A_797, %add3A_798, %rem3A_789 : i32
      %mul3A_800 = arith.constant 1024 : i32
      %mul3A_801 = arith.muli %select_n3A_799, %mul3A_800 : i32
      %dma_wait3A_802 = arith.constant 0 : i32
      %dma_wait3A_803 = arith.constant 0 : i32
      %dma_wait3A_804 = arith.constant 0 : i32
      %dma_wait3A_805 = arith.constant 0 : i32
      %dma_wait3A_806 = arith.constant 0 : i32
      %dma_wait3A_807 = tpu.memref_slice %arg6[%dma_wait3A_804, %dma_wait3A_805, %dma_wait3A_806] : memref<4x8x1024xf32, #tpu.memory_space<vmem>> -> memref<1x8x1024xf32, #tpu.memory_space<vmem>>
      %dma_wait3A_808 = tpu.memref_squeeze %dma_wait3A_807 : memref<1x8x1024xf32, #tpu.memory_space<vmem>> -> memref<8x1024xf32, #tpu.memory_space<vmem>>
      %dma_wait3A_809 = arith.constant 0 : i32
      %dma_wait3A_810 = arith.constant 0 : i32
      %dma_wait3A_811 = tpu.memref_slice %arg4[%dma_wait3A_802, %dma_wait3A_803, %dma_wait3A_809, %dma_wait3A_810] : memref<16x16x64x4096xf32, #tpu.memory_space<hbm>> -> memref<1x1x8x1024xf32, #tpu.memory_space<hbm>>
      %dma_wait3A_812 = tpu.memref_squeeze %dma_wait3A_811 : memref<1x1x8x1024xf32, #tpu.memory_space<hbm>> -> memref<8x1024xf32, #tpu.memory_space<hbm>>
      %dma_wait3A_813 = arith.constant 0 : i32
      %dma_wait3A_814 = arith.constant 0 : i32
      %dma_wait3A_815 = tpu.memref_slice %arg6[%dma_wait3A_804, %dma_wait3A_813, %dma_wait3A_814] : memref<4x8x1024xf32, #tpu.memory_space<vmem>> -> memref<1x8x1024xf32, #tpu.memory_space<vmem>>
      %dma_wait3A_816 = tpu.memref_squeeze %dma_wait3A_815 : memref<1x8x1024xf32, #tpu.memory_space<vmem>> -> memref<8x1024xf32, #tpu.memory_space<vmem>>
      %dma_wait3A_817 = arith.constant 0 : i32
      %dma_wait3A_818 = arith.constant 0 : i32
      %dma_wait3A_819 = tpu.memref_slice %arg4[%dma_wait3A_802, %dma_wait3A_803, %dma_wait3A_817, %dma_wait3A_818] : memref<16x16x64x4096xf32, #tpu.memory_space<hbm>> -> memref<1x1x8x1024xf32, #tpu.memory_space<hbm>>
      %dma_wait3A_820 = tpu.memref_squeeze %dma_wait3A_819 : memref<1x1x8x1024xf32, #tpu.memory_space<hbm>> -> memref<8x1024xf32, #tpu.memory_space<hbm>>
      tpu.wait_dma2 semaphore(%arg9 : memref<!tpu.dma_semaphore, #tpu.memory_space<semaphore_mem>>) src(%dma_wait3A_820 : memref<8x1024xf32, #tpu.memory_space<hbm>>) dst(%dma_wait3A_816 : memref<8x1024xf32, #tpu.memory_space<vmem>>)
      %sub3A_821 = arith.subi %squeeze3A, %mul3A_801 : i32
      %ge3A = arith.constant 0 : i32
      %ge3A_822 = arith.cmpi sge, %sub3A_821, %ge3A : i32
      %lt3A_823 = arith.constant 1024 : i32
      %lt3A_824 = arith.cmpi slt, %sub3A_821, %lt3A_823 : i32
      %and3A_825 = arith.andi %ge3A_822, %lt3A_824 : i1
      %convert_element_type3A_826 = arith.extui %and3A_825 : i1 to i32
      %cond3A_827 = arith.constant 0 : i32
      %cond3A_828 = arith.cmpi ne, %convert_element_type3A_826, %cond3A_827 : i32
      scf.if %cond3A_828 {
        %mul3A_1358 = arith.constant 16 : i32
        %mul3A_1359 = arith.muli %select_n3A_757, %mul3A_1358 : i32
        %add3A_1360 = arith.addi %mul3A_1359, %select_n3A_741 : i32
        %mul3A_1361 = arith.constant 64 : i32
        %mul3A_1362 = arith.muli %add3A_1360, %mul3A_1361 : i32
        %add3A_1363 = arith.addi %mul3A_1362, %mul3A_783 : i32
        %dma_start3A_1364 = arith.constant 0 : i32
        %dma_start3A_1365 = arith.constant 0 : i32
        %dma_start3A_1366 = arith.constant 0 : i32
        %dma_start3A_1367 = tpu.memref_slice %arg6[%dma_start3A_1365, %dma_start3A_1366, %sub3A_821] : memref<4x8x1024xf32, #tpu.memory_space<vmem>> -> memref<1x8x1xf32, #tpu.memory_space<vmem>>
        %dma_start3A_1368 = tpu.memref_squeeze %dma_start3A_1367 : memref<1x8x1xf32, #tpu.memory_space<vmem>> -> memref<8xf32, #tpu.memory_space<vmem>>
        %dma_start3A_1369 = tpu.memref_slice %arg7[%dma_start3A_1364, %add3A_1363] : memref<2x16384xf32, #tpu.memory_space<vmem_shared>> -> memref<1x8xf32, #tpu.memory_space<vmem_shared>>
        %dma_start3A_1370 = tpu.memref_squeeze %dma_start3A_1369 : memref<1x8xf32, #tpu.memory_space<vmem_shared>> -> memref<8xf32, #tpu.memory_space<vmem_shared>>
        %dma_start3A_1371 = arith.constant 0 : i32
        %dma_start3A_1372 = tpu.memref_slice %arg6[%dma_start3A_1365, %dma_start3A_1371, %sub3A_821] : memref<4x8x1024xf32, #tpu.memory_space<vmem>> -> memref<1x8x1xf32, #tpu.memory_space<vmem>>
        %dma_start3A_1373 = tpu.memref_squeeze %dma_start3A_1372 : memref<1x8x1xf32, #tpu.memory_space<vmem>> -> memref<8xf32, #tpu.memory_space<vmem>>
        %dma_start3A_1374 = tpu.memref_slice %arg7[%dma_start3A_1364, %add3A_1363] : memref<2x16384xf32, #tpu.memory_space<vmem_shared>> -> memref<1x8xf32, #tpu.memory_space<vmem_shared>>
        %dma_start3A_1375 = tpu.memref_squeeze %dma_start3A_1374 : memref<1x8xf32, #tpu.memory_space<vmem_shared>> -> memref<8xf32, #tpu.memory_space<vmem_shared>>
        tpu.enqueue_dma source(%dma_start3A_1375 : memref<8xf32, #tpu.memory_space<vmem_shared>>) target(%dma_start3A_1373 : memref<8xf32, #tpu.memory_space<vmem>>) target_semaphore(%arg17 : memref<!tpu.dma_semaphore, #tpu.memory_space<semaphore_mem>>)
        %dma_wait3A_1376 = arith.constant 0 : i32
        %dma_wait3A_1377 = arith.constant 0 : i32
        %dma_wait3A_1378 = arith.constant 0 : i32
        %dma_wait3A_1379 = tpu.memref_slice %arg6[%dma_wait3A_1377, %dma_wait3A_1378, %sub3A_821] : memref<4x8x1024xf32, #tpu.memory_space<vmem>> -> memref<1x8x1xf32, #tpu.memory_space<vmem>>
        %dma_wait3A_1380 = tpu.memref_squeeze %dma_wait3A_1379 : memref<1x8x1xf32, #tpu.memory_space<vmem>> -> memref<8xf32, #tpu.memory_space<vmem>>
        %dma_wait3A_1381 = tpu.memref_slice %arg7[%dma_wait3A_1376, %add3A_1363] : memref<2x16384xf32, #tpu.memory_space<vmem_shared>> -> memref<1x8xf32, #tpu.memory_space<vmem_shared>>
        %dma_wait3A_1382 = tpu.memref_squeeze %dma_wait3A_1381 : memref<1x8xf32, #tpu.memory_space<vmem_shared>> -> memref<8xf32, #tpu.memory_space<vmem_shared>>
        %dma_wait3A_1383 = arith.constant 0 : i32
        %dma_wait3A_1384 = tpu.memref_slice %arg6[%dma_wait3A_1377, %dma_wait3A_1383, %sub3A_821] : memref<4x8x1024xf32, #tpu.memory_space<vmem>> -> memref<1x8x1xf32, #tpu.memory_space<vmem>>
        %dma_wait3A_1385 = tpu.memref_squeeze %dma_wait3A_1384 : memref<1x8x1xf32, #tpu.memory_space<vmem>> -> memref<8xf32, #tpu.memory_space<vmem>>
        %dma_wait3A_1386 = tpu.memref_slice %arg7[%dma_wait3A_1376, %add3A_1363] : memref<2x16384xf32, #tpu.memory_space<vmem_shared>> -> memref<1x8xf32, #tpu.memory_space<vmem_shared>>
        %dma_wait3A_1387 = tpu.memref_squeeze %dma_wait3A_1386 : memref<1x8xf32, #tpu.memory_space<vmem_shared>> -> memref<8xf32, #tpu.memory_space<vmem_shared>>
        tpu.wait_dma2 semaphore(%arg17 : memref<!tpu.dma_semaphore, #tpu.memory_space<semaphore_mem>>) src(%dma_wait3A_1387 : memref<8xf32, #tpu.memory_space<vmem_shared>>) dst(%dma_wait3A_1385 : memref<8xf32, #tpu.memory_space<vmem>>)
      } else {
      }
      %dma_start3A_829 = arith.constant 0 : i32
      %dma_start3A_830 = arith.constant 0 : i32
      %dma_start3A_831 = arith.constant 0 : i32
      %dma_start3A_832 = tpu.memref_slice %arg6[%dma_start3A_829, %dma_start3A_830, %dma_start3A_831] : memref<4x8x1024xf32, #tpu.memory_space<vmem>> -> memref<1x8x1024xf32, #tpu.memory_space<vmem>>
      %dma_start3A_833 = tpu.memref_squeeze %dma_start3A_832 : memref<1x8x1024xf32, #tpu.memory_space<vmem>> -> memref<8x1024xf32, #tpu.memory_space<vmem>>
      %dma_start3A_834 = tpu.memref_slice %arg5[%select_n3A_757, %select_n3A_741, %mul3A_783, %mul3A_801] : memref<16x16x64x4096xf32, #tpu.memory_space<hbm>> -> memref<1x1x8x1024xf32, #tpu.memory_space<hbm>>
      %dma_start3A_835 = tpu.memref_squeeze %dma_start3A_834 : memref<1x1x8x1024xf32, #tpu.memory_space<hbm>> -> memref<8x1024xf32, #tpu.memory_space<hbm>>
      %dma_start3A_836 = tpu.memref_slice %arg5[%select_n3A_757, %select_n3A_741, %mul3A_783, %mul3A_801] : memref<16x16x64x4096xf32, #tpu.memory_space<hbm>> -> memref<1x1x8x1024xf32, #tpu.memory_space<hbm>>
      %dma_start3A_837 = tpu.memref_squeeze %dma_start3A_836 : memref<1x1x8x1024xf32, #tpu.memory_space<hbm>> -> memref<8x1024xf32, #tpu.memory_space<hbm>>
      %dma_start3A_838 = arith.constant 0 : i32
      %dma_start3A_839 = arith.constant 0 : i32
      %dma_start3A_840 = tpu.memref_slice %arg6[%dma_start3A_829, %dma_start3A_838, %dma_start3A_839] : memref<4x8x1024xf32, #tpu.memory_space<vmem>> -> memref<1x8x1024xf32, #tpu.memory_space<vmem>>
      %dma_start3A_841 = tpu.memref_squeeze %dma_start3A_840 : memref<1x8x1024xf32, #tpu.memory_space<vmem>> -> memref<8x1024xf32, #tpu.memory_space<vmem>>
      tpu.enqueue_dma source(%dma_start3A_841 : memref<8x1024xf32, #tpu.memory_space<vmem>>) target(%dma_start3A_837 : memref<8x1024xf32, #tpu.memory_space<hbm>>) target_semaphore(%arg13 : memref<!tpu.dma_semaphore, #tpu.memory_space<semaphore_mem>>)
      %mul3A_842 = arith.constant 4 : i32
      %mul3A_843 = arith.muli %scan3A_85, %mul3A_842 : i32
      %add3A_844 = arith.constant 1 : i32
      %add3A_845 = arith.addi %mul3A_843, %add3A_844 : i32
      %mul3A_846 = arith.constant 8 : i32
      %mul3A_847 = arith.muli %add3A, %mul3A_846 : i32
      %jit3A_848 = arith.constant 32 : i32
      %div3A_849 = arith.divsi %add3A_845, %jit3A_848 : i32
      %sign3A_850 = arith.constant 0 : i32
      %sign3A_851 = arith.cmpi sgt, %add3A_845, %sign3A_850 : i32
      %sign3A_852 = arith.extui %sign3A_851 : i1 to i32
      %sign3A_853 = arith.constant 0 : i32
      %sign3A_854 = arith.cmpi slt, %add3A_845, %sign3A_853 : i32
      %sign3A_855 = arith.extui %sign3A_854 : i1 to i32
      %sign3A_856 = arith.subi %sign3A_852, %sign3A_855 : i32
      %sign3A_857 = arith.constant 0 : i32
      %sign3A_858 = arith.cmpi sgt, %jit3A_848, %sign3A_857 : i32
      %sign3A_859 = arith.extui %sign3A_858 : i1 to i32
      %sign3A_860 = arith.constant 0 : i32
      %sign3A_861 = arith.cmpi slt, %jit3A_848, %sign3A_860 : i32
      %sign3A_862 = arith.extui %sign3A_861 : i1 to i32
      %sign3A_863 = arith.subi %sign3A_859, %sign3A_862 : i32
      %ne3A_864 = arith.cmpi ne, %sign3A_856, %sign3A_863 : i32
      %rem3A_865 = arith.remsi %add3A_845, %jit3A_848 : i32
      %ne3A_866 = arith.constant 0 : i32
      %ne3A_867 = arith.cmpi ne, %rem3A_865, %ne3A_866 : i32
      %and3A_868 = arith.andi %ne3A_864, %ne3A_867 : i1
      %sub3A_869 = arith.constant 1 : i32
      %sub3A_870 = arith.subi %div3A_849, %sub3A_869 : i32
      %select_n3A_871 = arith.select %and3A_868, %sub3A_870, %div3A_849 : i32
      %add3A_872 = arith.addi %mul3A_847, %select_n3A_871 : i32
      %jit3A_873 = arith.constant 32 : i32
      %eq3A_874 = arith.constant 0 : i32
      %eq3A_875 = arith.cmpi eq, %jit3A_873, %eq3A_874 : i32
      %jit3A_876 = arith.constant 1 : i32
      %select_n3A_877 = arith.select %eq3A_875, %jit3A_876, %jit3A_873 : i32
      %rem3A_878 = arith.remsi %add3A_845, %select_n3A_877 : i32
      %ne3A_879 = arith.constant 0 : i32
      %ne3A_880 = arith.cmpi ne, %rem3A_878, %ne3A_879 : i32
      %lt3A_881 = arith.constant 0 : i32
      %lt3A_882 = arith.cmpi slt, %rem3A_878, %lt3A_881 : i32
      %lt3A_883 = arith.constant 0 : i32
      %lt3A_884 = arith.cmpi slt, %select_n3A_877, %lt3A_883 : i32
      %ne3A_885 = arith.xori %lt3A_882, %lt3A_884 : i1
      %and3A_886 = arith.andi %ne3A_885, %ne3A_880 : i1
      %add3A_887 = arith.addi %rem3A_878, %select_n3A_877 : i32
      %select_n3A_888 = arith.select %and3A_886, %add3A_887, %rem3A_878 : i32
      %jit3A_889 = arith.constant 16 : i32
      %div3A_890 = arith.divsi %add3A_872, %jit3A_889 : i32
      %sign3A_891 = arith.constant 0 : i32
      %sign3A_892 = arith.cmpi sgt, %add3A_872, %sign3A_891 : i32
      %sign3A_893 = arith.extui %sign3A_892 : i1 to i32
      %sign3A_894 = arith.constant 0 : i32
      %sign3A_895 = arith.cmpi slt, %add3A_872, %sign3A_894 : i32
      %sign3A_896 = arith.extui %sign3A_895 : i1 to i32
      %sign3A_897 = arith.subi %sign3A_893, %sign3A_896 : i32
      %sign3A_898 = arith.constant 0 : i32
      %sign3A_899 = arith.cmpi sgt, %jit3A_889, %sign3A_898 : i32
      %sign3A_900 = arith.extui %sign3A_899 : i1 to i32
      %sign3A_901 = arith.constant 0 : i32
      %sign3A_902 = arith.cmpi slt, %jit3A_889, %sign3A_901 : i32
      %sign3A_903 = arith.extui %sign3A_902 : i1 to i32
      %sign3A_904 = arith.subi %sign3A_900, %sign3A_903 : i32
      %ne3A_905 = arith.cmpi ne, %sign3A_897, %sign3A_904 : i32
      %rem3A_906 = arith.remsi %add3A_872, %jit3A_889 : i32
      %ne3A_907 = arith.constant 0 : i32
      %ne3A_908 = arith.cmpi ne, %rem3A_906, %ne3A_907 : i32
      %and3A_909 = arith.andi %ne3A_905, %ne3A_908 : i1
      %sub3A_910 = arith.constant 1 : i32
      %sub3A_911 = arith.subi %div3A_890, %sub3A_910 : i32
      %select_n3A_912 = arith.select %and3A_909, %sub3A_911, %div3A_890 : i32
      %jit3A_913 = arith.constant 16 : i32
      %eq3A_914 = arith.constant 0 : i32
      %eq3A_915 = arith.cmpi eq, %jit3A_913, %eq3A_914 : i32
      %jit3A_916 = arith.constant 1 : i32
      %select_n3A_917 = arith.select %eq3A_915, %jit3A_916, %jit3A_913 : i32
      %rem3A_918 = arith.remsi %add3A_872, %select_n3A_917 : i32
      %ne3A_919 = arith.constant 0 : i32
      %ne3A_920 = arith.cmpi ne, %rem3A_918, %ne3A_919 : i32
      %lt3A_921 = arith.constant 0 : i32
      %lt3A_922 = arith.cmpi slt, %rem3A_918, %lt3A_921 : i32
      %lt3A_923 = arith.constant 0 : i32
      %lt3A_924 = arith.cmpi slt, %select_n3A_917, %lt3A_923 : i32
      %ne3A_925 = arith.xori %lt3A_922, %lt3A_924 : i1
      %and3A_926 = arith.andi %ne3A_925, %ne3A_920 : i1
      %add3A_927 = arith.addi %rem3A_918, %select_n3A_917 : i32
      %select_n3A_928 = arith.select %and3A_926, %add3A_927, %rem3A_918 : i32
      %jit3A_929 = arith.constant 4 : i32
      %div3A_930 = arith.divsi %select_n3A_888, %jit3A_929 : i32
      %sign3A_931 = arith.constant 0 : i32
      %sign3A_932 = arith.cmpi sgt, %select_n3A_888, %sign3A_931 : i32
      %sign3A_933 = arith.extui %sign3A_932 : i1 to i32
      %sign3A_934 = arith.constant 0 : i32
      %sign3A_935 = arith.cmpi slt, %select_n3A_888, %sign3A_934 : i32
      %sign3A_936 = arith.extui %sign3A_935 : i1 to i32
      %sign3A_937 = arith.subi %sign3A_933, %sign3A_936 : i32
      %sign3A_938 = arith.constant 0 : i32
      %sign3A_939 = arith.cmpi sgt, %jit3A_929, %sign3A_938 : i32
      %sign3A_940 = arith.extui %sign3A_939 : i1 to i32
      %sign3A_941 = arith.constant 0 : i32
      %sign3A_942 = arith.cmpi slt, %jit3A_929, %sign3A_941 : i32
      %sign3A_943 = arith.extui %sign3A_942 : i1 to i32
      %sign3A_944 = arith.subi %sign3A_940, %sign3A_943 : i32
      %ne3A_945 = arith.cmpi ne, %sign3A_937, %sign3A_944 : i32
      %rem3A_946 = arith.remsi %select_n3A_888, %jit3A_929 : i32
      %ne3A_947 = arith.constant 0 : i32
      %ne3A_948 = arith.cmpi ne, %rem3A_946, %ne3A_947 : i32
      %and3A_949 = arith.andi %ne3A_945, %ne3A_948 : i1
      %sub3A_950 = arith.constant 1 : i32
      %sub3A_951 = arith.subi %div3A_930, %sub3A_950 : i32
      %select_n3A_952 = arith.select %and3A_949, %sub3A_951, %div3A_930 : i32
      %mul3A_953 = arith.constant 8 : i32
      %mul3A_954 = arith.muli %select_n3A_952, %mul3A_953 : i32
      %jit3A_955 = arith.constant 4 : i32
      %eq3A_956 = arith.constant 0 : i32
      %eq3A_957 = arith.cmpi eq, %jit3A_955, %eq3A_956 : i32
      %jit3A_958 = arith.constant 1 : i32
      %select_n3A_959 = arith.select %eq3A_957, %jit3A_958, %jit3A_955 : i32
      %rem3A_960 = arith.remsi %select_n3A_888, %select_n3A_959 : i32
      %ne3A_961 = arith.constant 0 : i32
      %ne3A_962 = arith.cmpi ne, %rem3A_960, %ne3A_961 : i32
      %lt3A_963 = arith.constant 0 : i32
      %lt3A_964 = arith.cmpi slt, %rem3A_960, %lt3A_963 : i32
      %lt3A_965 = arith.constant 0 : i32
      %lt3A_966 = arith.cmpi slt, %select_n3A_959, %lt3A_965 : i32
      %ne3A_967 = arith.xori %lt3A_964, %lt3A_966 : i1
      %and3A_968 = arith.andi %ne3A_967, %ne3A_962 : i1
      %add3A_969 = arith.addi %rem3A_960, %select_n3A_959 : i32
      %select_n3A_970 = arith.select %and3A_968, %add3A_969, %rem3A_960 : i32
      %mul3A_971 = arith.constant 1024 : i32
      %mul3A_972 = arith.muli %select_n3A_970, %mul3A_971 : i32
      %dma_wait3A_973 = arith.constant 0 : i32
      %dma_wait3A_974 = arith.constant 0 : i32
      %dma_wait3A_975 = arith.constant 1 : i32
      %dma_wait3A_976 = arith.constant 0 : i32
      %dma_wait3A_977 = arith.constant 0 : i32
      %dma_wait3A_978 = tpu.memref_slice %arg6[%dma_wait3A_975, %dma_wait3A_976, %dma_wait3A_977] : memref<4x8x1024xf32, #tpu.memory_space<vmem>> -> memref<1x8x1024xf32, #tpu.memory_space<vmem>>
      %dma_wait3A_979 = tpu.memref_squeeze %dma_wait3A_978 : memref<1x8x1024xf32, #tpu.memory_space<vmem>> -> memref<8x1024xf32, #tpu.memory_space<vmem>>
      %dma_wait3A_980 = arith.constant 0 : i32
      %dma_wait3A_981 = arith.constant 0 : i32
      %dma_wait3A_982 = tpu.memref_slice %arg4[%dma_wait3A_973, %dma_wait3A_974, %dma_wait3A_980, %dma_wait3A_981] : memref<16x16x64x4096xf32, #tpu.memory_space<hbm>> -> memref<1x1x8x1024xf32, #tpu.memory_space<hbm>>
      %dma_wait3A_983 = tpu.memref_squeeze %dma_wait3A_982 : memref<1x1x8x1024xf32, #tpu.memory_space<hbm>> -> memref<8x1024xf32, #tpu.memory_space<hbm>>
      %dma_wait3A_984 = arith.constant 0 : i32
      %dma_wait3A_985 = arith.constant 0 : i32
      %dma_wait3A_986 = tpu.memref_slice %arg6[%dma_wait3A_975, %dma_wait3A_984, %dma_wait3A_985] : memref<4x8x1024xf32, #tpu.memory_space<vmem>> -> memref<1x8x1024xf32, #tpu.memory_space<vmem>>
      %dma_wait3A_987 = tpu.memref_squeeze %dma_wait3A_986 : memref<1x8x1024xf32, #tpu.memory_space<vmem>> -> memref<8x1024xf32, #tpu.memory_space<vmem>>
      %dma_wait3A_988 = arith.constant 0 : i32
      %dma_wait3A_989 = arith.constant 0 : i32
      %dma_wait3A_990 = tpu.memref_slice %arg4[%dma_wait3A_973, %dma_wait3A_974, %dma_wait3A_988, %dma_wait3A_989] : memref<16x16x64x4096xf32, #tpu.memory_space<hbm>> -> memref<1x1x8x1024xf32, #tpu.memory_space<hbm>>
      %dma_wait3A_991 = tpu.memref_squeeze %dma_wait3A_990 : memref<1x1x8x1024xf32, #tpu.memory_space<hbm>> -> memref<8x1024xf32, #tpu.memory_space<hbm>>
      tpu.wait_dma2 semaphore(%arg10 : memref<!tpu.dma_semaphore, #tpu.memory_space<semaphore_mem>>) src(%dma_wait3A_991 : memref<8x1024xf32, #tpu.memory_space<hbm>>) dst(%dma_wait3A_987 : memref<8x1024xf32, #tpu.memory_space<vmem>>)
      %sub3A_992 = arith.subi %squeeze3A, %mul3A_972 : i32
      %ge3A_993 = arith.constant 0 : i32
      %ge3A_994 = arith.cmpi sge, %sub3A_992, %ge3A_993 : i32
      %lt3A_995 = arith.constant 1024 : i32
      %lt3A_996 = arith.cmpi slt, %sub3A_992, %lt3A_995 : i32
      %and3A_997 = arith.andi %ge3A_994, %lt3A_996 : i1
      %convert_element_type3A_998 = arith.extui %and3A_997 : i1 to i32
      %cond3A_999 = arith.constant 0 : i32
      %cond3A_1000 = arith.cmpi ne, %convert_element_type3A_998, %cond3A_999 : i32
      scf.if %cond3A_1000 {
        %mul3A_1358 = arith.constant 16 : i32
        %mul3A_1359 = arith.muli %select_n3A_928, %mul3A_1358 : i32
        %add3A_1360 = arith.addi %mul3A_1359, %select_n3A_912 : i32
        %mul3A_1361 = arith.constant 64 : i32
        %mul3A_1362 = arith.muli %add3A_1360, %mul3A_1361 : i32
        %add3A_1363 = arith.addi %mul3A_1362, %mul3A_954 : i32
        %dma_start3A_1364 = arith.constant 0 : i32
        %dma_start3A_1365 = arith.constant 1 : i32
        %dma_start3A_1366 = arith.constant 0 : i32
        %dma_start3A_1367 = tpu.memref_slice %arg6[%dma_start3A_1365, %dma_start3A_1366, %sub3A_992] : memref<4x8x1024xf32, #tpu.memory_space<vmem>> -> memref<1x8x1xf32, #tpu.memory_space<vmem>>
        %dma_start3A_1368 = tpu.memref_squeeze %dma_start3A_1367 : memref<1x8x1xf32, #tpu.memory_space<vmem>> -> memref<8xf32, #tpu.memory_space<vmem>>
        %dma_start3A_1369 = tpu.memref_slice %arg7[%dma_start3A_1364, %add3A_1363] : memref<2x16384xf32, #tpu.memory_space<vmem_shared>> -> memref<1x8xf32, #tpu.memory_space<vmem_shared>>
        %dma_start3A_1370 = tpu.memref_squeeze %dma_start3A_1369 : memref<1x8xf32, #tpu.memory_space<vmem_shared>> -> memref<8xf32, #tpu.memory_space<vmem_shared>>
        %dma_start3A_1371 = arith.constant 0 : i32
        %dma_start3A_1372 = tpu.memref_slice %arg6[%dma_start3A_1365, %dma_start3A_1371, %sub3A_992] : memref<4x8x1024xf32, #tpu.memory_space<vmem>> -> memref<1x8x1xf32, #tpu.memory_space<vmem>>
        %dma_start3A_1373 = tpu.memref_squeeze %dma_start3A_1372 : memref<1x8x1xf32, #tpu.memory_space<vmem>> -> memref<8xf32, #tpu.memory_space<vmem>>
        %dma_start3A_1374 = tpu.memref_slice %arg7[%dma_start3A_1364, %add3A_1363] : memref<2x16384xf32, #tpu.memory_space<vmem_shared>> -> memref<1x8xf32, #tpu.memory_space<vmem_shared>>
        %dma_start3A_1375 = tpu.memref_squeeze %dma_start3A_1374 : memref<1x8xf32, #tpu.memory_space<vmem_shared>> -> memref<8xf32, #tpu.memory_space<vmem_shared>>
        tpu.enqueue_dma source(%dma_start3A_1375 : memref<8xf32, #tpu.memory_space<vmem_shared>>) target(%dma_start3A_1373 : memref<8xf32, #tpu.memory_space<vmem>>) target_semaphore(%arg17 : memref<!tpu.dma_semaphore, #tpu.memory_space<semaphore_mem>>)
        %dma_wait3A_1376 = arith.constant 0 : i32
        %dma_wait3A_1377 = arith.constant 1 : i32
        %dma_wait3A_1378 = arith.constant 0 : i32
        %dma_wait3A_1379 = tpu.memref_slice %arg6[%dma_wait3A_1377, %dma_wait3A_1378, %sub3A_992] : memref<4x8x1024xf32, #tpu.memory_space<vmem>> -> memref<1x8x1xf32, #tpu.memory_space<vmem>>
        %dma_wait3A_1380 = tpu.memref_squeeze %dma_wait3A_1379 : memref<1x8x1xf32, #tpu.memory_space<vmem>> -> memref<8xf32, #tpu.memory_space<vmem>>
        %dma_wait3A_1381 = tpu.memref_slice %arg7[%dma_wait3A_1376, %add3A_1363] : memref<2x16384xf32, #tpu.memory_space<vmem_shared>> -> memref<1x8xf32, #tpu.memory_space<vmem_shared>>
        %dma_wait3A_1382 = tpu.memref_squeeze %dma_wait3A_1381 : memref<1x8xf32, #tpu.memory_space<vmem_shared>> -> memref<8xf32, #tpu.memory_space<vmem_shared>>
        %dma_wait3A_1383 = arith.constant 0 : i32
        %dma_wait3A_1384 = tpu.memref_slice %arg6[%dma_wait3A_1377, %dma_wait3A_1383, %sub3A_992] : memref<4x8x1024xf32, #tpu.memory_space<vmem>> -> memref<1x8x1xf32, #tpu.memory_space<vmem>>
        %dma_wait3A_1385 = tpu.memref_squeeze %dma_wait3A_1384 : memref<1x8x1xf32, #tpu.memory_space<vmem>> -> memref<8xf32, #tpu.memory_space<vmem>>
        %dma_wait3A_1386 = tpu.memref_slice %arg7[%dma_wait3A_1376, %add3A_1363] : memref<2x16384xf32, #tpu.memory_space<vmem_shared>> -> memref<1x8xf32, #tpu.memory_space<vmem_shared>>
        %dma_wait3A_1387 = tpu.memref_squeeze %dma_wait3A_1386 : memref<1x8xf32, #tpu.memory_space<vmem_shared>> -> memref<8xf32, #tpu.memory_space<vmem_shared>>
        tpu.wait_dma2 semaphore(%arg17 : memref<!tpu.dma_semaphore, #tpu.memory_space<semaphore_mem>>) src(%dma_wait3A_1387 : memref<8xf32, #tpu.memory_space<vmem_shared>>) dst(%dma_wait3A_1385 : memref<8xf32, #tpu.memory_space<vmem>>)
      } else {
      }
      %dma_start3A_1001 = arith.constant 1 : i32
      %dma_start3A_1002 = arith.constant 0 : i32
      %dma_start3A_1003 = arith.constant 0 : i32
      %dma_start3A_1004 = tpu.memref_slice %arg6[%dma_start3A_1001, %dma_start3A_1002, %dma_start3A_1003] : memref<4x8x1024xf32, #tpu.memory_space<vmem>> -> memref<1x8x1024xf32, #tpu.memory_space<vmem>>
      %dma_start3A_1005 = tpu.memref_squeeze %dma_start3A_1004 : memref<1x8x1024xf32, #tpu.memory_space<vmem>> -> memref<8x1024xf32, #tpu.memory_space<vmem>>
      %dma_start3A_1006 = tpu.memref_slice %arg5[%select_n3A_928, %select_n3A_912, %mul3A_954, %mul3A_972] : memref<16x16x64x4096xf32, #tpu.memory_space<hbm>> -> memref<1x1x8x1024xf32, #tpu.memory_space<hbm>>
      %dma_start3A_1007 = tpu.memref_squeeze %dma_start3A_1006 : memref<1x1x8x1024xf32, #tpu.memory_space<hbm>> -> memref<8x1024xf32, #tpu.memory_space<hbm>>
      %dma_start3A_1008 = tpu.memref_slice %arg5[%select_n3A_928, %select_n3A_912, %mul3A_954, %mul3A_972] : memref<16x16x64x4096xf32, #tpu.memory_space<hbm>> -> memref<1x1x8x1024xf32, #tpu.memory_space<hbm>>
      %dma_start3A_1009 = tpu.memref_squeeze %dma_start3A_1008 : memref<1x1x8x1024xf32, #tpu.memory_space<hbm>> -> memref<8x1024xf32, #tpu.memory_space<hbm>>
      %dma_start3A_1010 = arith.constant 0 : i32
      %dma_start3A_1011 = arith.constant 0 : i32
      %dma_start3A_1012 = tpu.memref_slice %arg6[%dma_start3A_1001, %dma_start3A_1010, %dma_start3A_1011] : memref<4x8x1024xf32, #tpu.memory_space<vmem>> -> memref<1x8x1024xf32, #tpu.memory_space<vmem>>
      %dma_start3A_1013 = tpu.memref_squeeze %dma_start3A_1012 : memref<1x8x1024xf32, #tpu.memory_space<vmem>> -> memref<8x1024xf32, #tpu.memory_space<vmem>>
      tpu.enqueue_dma source(%dma_start3A_1013 : memref<8x1024xf32, #tpu.memory_space<vmem>>) target(%dma_start3A_1009 : memref<8x1024xf32, #tpu.memory_space<hbm>>) target_semaphore(%arg14 : memref<!tpu.dma_semaphore, #tpu.memory_space<semaphore_mem>>)
      %mul3A_1014 = arith.constant 4 : i32
      %mul3A_1015 = arith.muli %scan3A_85, %mul3A_1014 : i32
      %add3A_1016 = arith.constant 2 : i32
      %add3A_1017 = arith.addi %mul3A_1015, %add3A_1016 : i32
      %mul3A_1018 = arith.constant 8 : i32
      %mul3A_1019 = arith.muli %add3A, %mul3A_1018 : i32
      %jit3A_1020 = arith.constant 32 : i32
      %div3A_1021 = arith.divsi %add3A_1017, %jit3A_1020 : i32
      %sign3A_1022 = arith.constant 0 : i32
      %sign3A_1023 = arith.cmpi sgt, %add3A_1017, %sign3A_1022 : i32
      %sign3A_1024 = arith.extui %sign3A_1023 : i1 to i32
      %sign3A_1025 = arith.constant 0 : i32
      %sign3A_1026 = arith.cmpi slt, %add3A_1017, %sign3A_1025 : i32
      %sign3A_1027 = arith.extui %sign3A_1026 : i1 to i32
      %sign3A_1028 = arith.subi %sign3A_1024, %sign3A_1027 : i32
      %sign3A_1029 = arith.constant 0 : i32
      %sign3A_1030 = arith.cmpi sgt, %jit3A_1020, %sign3A_1029 : i32
      %sign3A_1031 = arith.extui %sign3A_1030 : i1 to i32
      %sign3A_1032 = arith.constant 0 : i32
      %sign3A_1033 = arith.cmpi slt, %jit3A_1020, %sign3A_1032 : i32
      %sign3A_1034 = arith.extui %sign3A_1033 : i1 to i32
      %sign3A_1035 = arith.subi %sign3A_1031, %sign3A_1034 : i32
      %ne3A_1036 = arith.cmpi ne, %sign3A_1028, %sign3A_1035 : i32
      %rem3A_1037 = arith.remsi %add3A_1017, %jit3A_1020 : i32
      %ne3A_1038 = arith.constant 0 : i32
      %ne3A_1039 = arith.cmpi ne, %rem3A_1037, %ne3A_1038 : i32
      %and3A_1040 = arith.andi %ne3A_1036, %ne3A_1039 : i1
      %sub3A_1041 = arith.constant 1 : i32
      %sub3A_1042 = arith.subi %div3A_1021, %sub3A_1041 : i32
      %select_n3A_1043 = arith.select %and3A_1040, %sub3A_1042, %div3A_1021 : i32
      %add3A_1044 = arith.addi %mul3A_1019, %select_n3A_1043 : i32
      %jit3A_1045 = arith.constant 32 : i32
      %eq3A_1046 = arith.constant 0 : i32
      %eq3A_1047 = arith.cmpi eq, %jit3A_1045, %eq3A_1046 : i32
      %jit3A_1048 = arith.constant 1 : i32
      %select_n3A_1049 = arith.select %eq3A_1047, %jit3A_1048, %jit3A_1045 : i32
      %rem3A_1050 = arith.remsi %add3A_1017, %select_n3A_1049 : i32
      %ne3A_1051 = arith.constant 0 : i32
      %ne3A_1052 = arith.cmpi ne, %rem3A_1050, %ne3A_1051 : i32
      %lt3A_1053 = arith.constant 0 : i32
      %lt3A_1054 = arith.cmpi slt, %rem3A_1050, %lt3A_1053 : i32
      %lt3A_1055 = arith.constant 0 : i32
      %lt3A_1056 = arith.cmpi slt, %select_n3A_1049, %lt3A_1055 : i32
      %ne3A_1057 = arith.xori %lt3A_1054, %lt3A_1056 : i1
      %and3A_1058 = arith.andi %ne3A_1057, %ne3A_1052 : i1
      %add3A_1059 = arith.addi %rem3A_1050, %select_n3A_1049 : i32
      %select_n3A_1060 = arith.select %and3A_1058, %add3A_1059, %rem3A_1050 : i32
      %jit3A_1061 = arith.constant 16 : i32
      %div3A_1062 = arith.divsi %add3A_1044, %jit3A_1061 : i32
      %sign3A_1063 = arith.constant 0 : i32
      %sign3A_1064 = arith.cmpi sgt, %add3A_1044, %sign3A_1063 : i32
      %sign3A_1065 = arith.extui %sign3A_1064 : i1 to i32
      %sign3A_1066 = arith.constant 0 : i32
      %sign3A_1067 = arith.cmpi slt, %add3A_1044, %sign3A_1066 : i32
      %sign3A_1068 = arith.extui %sign3A_1067 : i1 to i32
      %sign3A_1069 = arith.subi %sign3A_1065, %sign3A_1068 : i32
      %sign3A_1070 = arith.constant 0 : i32
      %sign3A_1071 = arith.cmpi sgt, %jit3A_1061, %sign3A_1070 : i32
      %sign3A_1072 = arith.extui %sign3A_1071 : i1 to i32
      %sign3A_1073 = arith.constant 0 : i32
      %sign3A_1074 = arith.cmpi slt, %jit3A_1061, %sign3A_1073 : i32
      %sign3A_1075 = arith.extui %sign3A_1074 : i1 to i32
      %sign3A_1076 = arith.subi %sign3A_1072, %sign3A_1075 : i32
      %ne3A_1077 = arith.cmpi ne, %sign3A_1069, %sign3A_1076 : i32
      %rem3A_1078 = arith.remsi %add3A_1044, %jit3A_1061 : i32
      %ne3A_1079 = arith.constant 0 : i32
      %ne3A_1080 = arith.cmpi ne, %rem3A_1078, %ne3A_1079 : i32
      %and3A_1081 = arith.andi %ne3A_1077, %ne3A_1080 : i1
      %sub3A_1082 = arith.constant 1 : i32
      %sub3A_1083 = arith.subi %div3A_1062, %sub3A_1082 : i32
      %select_n3A_1084 = arith.select %and3A_1081, %sub3A_1083, %div3A_1062 : i32
      %jit3A_1085 = arith.constant 16 : i32
      %eq3A_1086 = arith.constant 0 : i32
      %eq3A_1087 = arith.cmpi eq, %jit3A_1085, %eq3A_1086 : i32
      %jit3A_1088 = arith.constant 1 : i32
      %select_n3A_1089 = arith.select %eq3A_1087, %jit3A_1088, %jit3A_1085 : i32
      %rem3A_1090 = arith.remsi %add3A_1044, %select_n3A_1089 : i32
      %ne3A_1091 = arith.constant 0 : i32
      %ne3A_1092 = arith.cmpi ne, %rem3A_1090, %ne3A_1091 : i32
      %lt3A_1093 = arith.constant 0 : i32
      %lt3A_1094 = arith.cmpi slt, %rem3A_1090, %lt3A_1093 : i32
      %lt3A_1095 = arith.constant 0 : i32
      %lt3A_1096 = arith.cmpi slt, %select_n3A_1089, %lt3A_1095 : i32
      %ne3A_1097 = arith.xori %lt3A_1094, %lt3A_1096 : i1
      %and3A_1098 = arith.andi %ne3A_1097, %ne3A_1092 : i1
      %add3A_1099 = arith.addi %rem3A_1090, %select_n3A_1089 : i32
      %select_n3A_1100 = arith.select %and3A_1098, %add3A_1099, %rem3A_1090 : i32
      %jit3A_1101 = arith.constant 4 : i32
      %div3A_1102 = arith.divsi %select_n3A_1060, %jit3A_1101 : i32
      %sign3A_1103 = arith.constant 0 : i32
      %sign3A_1104 = arith.cmpi sgt, %select_n3A_1060, %sign3A_1103 : i32
      %sign3A_1105 = arith.extui %sign3A_1104 : i1 to i32
      %sign3A_1106 = arith.constant 0 : i32
      %sign3A_1107 = arith.cmpi slt, %select_n3A_1060, %sign3A_1106 : i32
      %sign3A_1108 = arith.extui %sign3A_1107 : i1 to i32
      %sign3A_1109 = arith.subi %sign3A_1105, %sign3A_1108 : i32
      %sign3A_1110 = arith.constant 0 : i32
      %sign3A_1111 = arith.cmpi sgt, %jit3A_1101, %sign3A_1110 : i32
      %sign3A_1112 = arith.extui %sign3A_1111 : i1 to i32
      %sign3A_1113 = arith.constant 0 : i32
      %sign3A_1114 = arith.cmpi slt, %jit3A_1101, %sign3A_1113 : i32
      %sign3A_1115 = arith.extui %sign3A_1114 : i1 to i32
      %sign3A_1116 = arith.subi %sign3A_1112, %sign3A_1115 : i32
      %ne3A_1117 = arith.cmpi ne, %sign3A_1109, %sign3A_1116 : i32
      %rem3A_1118 = arith.remsi %select_n3A_1060, %jit3A_1101 : i32
      %ne3A_1119 = arith.constant 0 : i32
      %ne3A_1120 = arith.cmpi ne, %rem3A_1118, %ne3A_1119 : i32
      %and3A_1121 = arith.andi %ne3A_1117, %ne3A_1120 : i1
      %sub3A_1122 = arith.constant 1 : i32
      %sub3A_1123 = arith.subi %div3A_1102, %sub3A_1122 : i32
      %select_n3A_1124 = arith.select %and3A_1121, %sub3A_1123, %div3A_1102 : i32
      %mul3A_1125 = arith.constant 8 : i32
      %mul3A_1126 = arith.muli %select_n3A_1124, %mul3A_1125 : i32
      %jit3A_1127 = arith.constant 4 : i32
      %eq3A_1128 = arith.constant 0 : i32
      %eq3A_1129 = arith.cmpi eq, %jit3A_1127, %eq3A_1128 : i32
      %jit3A_1130 = arith.constant 1 : i32
      %select_n3A_1131 = arith.select %eq3A_1129, %jit3A_1130, %jit3A_1127 : i32
      %rem3A_1132 = arith.remsi %select_n3A_1060, %select_n3A_1131 : i32
      %ne3A_1133 = arith.constant 0 : i32
      %ne3A_1134 = arith.cmpi ne, %rem3A_1132, %ne3A_1133 : i32
      %lt3A_1135 = arith.constant 0 : i32
      %lt3A_1136 = arith.cmpi slt, %rem3A_1132, %lt3A_1135 : i32
      %lt3A_1137 = arith.constant 0 : i32
      %lt3A_1138 = arith.cmpi slt, %select_n3A_1131, %lt3A_1137 : i32
      %ne3A_1139 = arith.xori %lt3A_1136, %lt3A_1138 : i1
      %and3A_1140 = arith.andi %ne3A_1139, %ne3A_1134 : i1
      %add3A_1141 = arith.addi %rem3A_1132, %select_n3A_1131 : i32
      %select_n3A_1142 = arith.select %and3A_1140, %add3A_1141, %rem3A_1132 : i32
      %mul3A_1143 = arith.constant 1024 : i32
      %mul3A_1144 = arith.muli %select_n3A_1142, %mul3A_1143 : i32
      %dma_wait3A_1145 = arith.constant 0 : i32
      %dma_wait3A_1146 = arith.constant 0 : i32
      %dma_wait3A_1147 = arith.constant 2 : i32
      %dma_wait3A_1148 = arith.constant 0 : i32
      %dma_wait3A_1149 = arith.constant 0 : i32
      %dma_wait3A_1150 = tpu.memref_slice %arg6[%dma_wait3A_1147, %dma_wait3A_1148, %dma_wait3A_1149] : memref<4x8x1024xf32, #tpu.memory_space<vmem>> -> memref<1x8x1024xf32, #tpu.memory_space<vmem>>
      %dma_wait3A_1151 = tpu.memref_squeeze %dma_wait3A_1150 : memref<1x8x1024xf32, #tpu.memory_space<vmem>> -> memref<8x1024xf32, #tpu.memory_space<vmem>>
      %dma_wait3A_1152 = arith.constant 0 : i32
      %dma_wait3A_1153 = arith.constant 0 : i32
      %dma_wait3A_1154 = tpu.memref_slice %arg4[%dma_wait3A_1145, %dma_wait3A_1146, %dma_wait3A_1152, %dma_wait3A_1153] : memref<16x16x64x4096xf32, #tpu.memory_space<hbm>> -> memref<1x1x8x1024xf32, #tpu.memory_space<hbm>>
      %dma_wait3A_1155 = tpu.memref_squeeze %dma_wait3A_1154 : memref<1x1x8x1024xf32, #tpu.memory_space<hbm>> -> memref<8x1024xf32, #tpu.memory_space<hbm>>
      %dma_wait3A_1156 = arith.constant 0 : i32
      %dma_wait3A_1157 = arith.constant 0 : i32
      %dma_wait3A_1158 = tpu.memref_slice %arg6[%dma_wait3A_1147, %dma_wait3A_1156, %dma_wait3A_1157] : memref<4x8x1024xf32, #tpu.memory_space<vmem>> -> memref<1x8x1024xf32, #tpu.memory_space<vmem>>
      %dma_wait3A_1159 = tpu.memref_squeeze %dma_wait3A_1158 : memref<1x8x1024xf32, #tpu.memory_space<vmem>> -> memref<8x1024xf32, #tpu.memory_space<vmem>>
      %dma_wait3A_1160 = arith.constant 0 : i32
      %dma_wait3A_1161 = arith.constant 0 : i32
      %dma_wait3A_1162 = tpu.memref_slice %arg4[%dma_wait3A_1145, %dma_wait3A_1146, %dma_wait3A_1160, %dma_wait3A_1161] : memref<16x16x64x4096xf32, #tpu.memory_space<hbm>> -> memref<1x1x8x1024xf32, #tpu.memory_space<hbm>>
      %dma_wait3A_1163 = tpu.memref_squeeze %dma_wait3A_1162 : memref<1x1x8x1024xf32, #tpu.memory_space<hbm>> -> memref<8x1024xf32, #tpu.memory_space<hbm>>
      tpu.wait_dma2 semaphore(%arg11 : memref<!tpu.dma_semaphore, #tpu.memory_space<semaphore_mem>>) src(%dma_wait3A_1163 : memref<8x1024xf32, #tpu.memory_space<hbm>>) dst(%dma_wait3A_1159 : memref<8x1024xf32, #tpu.memory_space<vmem>>)
      %sub3A_1164 = arith.subi %squeeze3A, %mul3A_1144 : i32
      %ge3A_1165 = arith.constant 0 : i32
      %ge3A_1166 = arith.cmpi sge, %sub3A_1164, %ge3A_1165 : i32
      %lt3A_1167 = arith.constant 1024 : i32
      %lt3A_1168 = arith.cmpi slt, %sub3A_1164, %lt3A_1167 : i32
      %and3A_1169 = arith.andi %ge3A_1166, %lt3A_1168 : i1
      %convert_element_type3A_1170 = arith.extui %and3A_1169 : i1 to i32
      %cond3A_1171 = arith.constant 0 : i32
      %cond3A_1172 = arith.cmpi ne, %convert_element_type3A_1170, %cond3A_1171 : i32
      scf.if %cond3A_1172 {
        %mul3A_1358 = arith.constant 16 : i32
        %mul3A_1359 = arith.muli %select_n3A_1100, %mul3A_1358 : i32
        %add3A_1360 = arith.addi %mul3A_1359, %select_n3A_1084 : i32
        %mul3A_1361 = arith.constant 64 : i32
        %mul3A_1362 = arith.muli %add3A_1360, %mul3A_1361 : i32
        %add3A_1363 = arith.addi %mul3A_1362, %mul3A_1126 : i32
        %dma_start3A_1364 = arith.constant 0 : i32
        %dma_start3A_1365 = arith.constant 2 : i32
        %dma_start3A_1366 = arith.constant 0 : i32
        %dma_start3A_1367 = tpu.memref_slice %arg6[%dma_start3A_1365, %dma_start3A_1366, %sub3A_1164] : memref<4x8x1024xf32, #tpu.memory_space<vmem>> -> memref<1x8x1xf32, #tpu.memory_space<vmem>>
        %dma_start3A_1368 = tpu.memref_squeeze %dma_start3A_1367 : memref<1x8x1xf32, #tpu.memory_space<vmem>> -> memref<8xf32, #tpu.memory_space<vmem>>
        %dma_start3A_1369 = tpu.memref_slice %arg7[%dma_start3A_1364, %add3A_1363] : memref<2x16384xf32, #tpu.memory_space<vmem_shared>> -> memref<1x8xf32, #tpu.memory_space<vmem_shared>>
        %dma_start3A_1370 = tpu.memref_squeeze %dma_start3A_1369 : memref<1x8xf32, #tpu.memory_space<vmem_shared>> -> memref<8xf32, #tpu.memory_space<vmem_shared>>
        %dma_start3A_1371 = arith.constant 0 : i32
        %dma_start3A_1372 = tpu.memref_slice %arg6[%dma_start3A_1365, %dma_start3A_1371, %sub3A_1164] : memref<4x8x1024xf32, #tpu.memory_space<vmem>> -> memref<1x8x1xf32, #tpu.memory_space<vmem>>
        %dma_start3A_1373 = tpu.memref_squeeze %dma_start3A_1372 : memref<1x8x1xf32, #tpu.memory_space<vmem>> -> memref<8xf32, #tpu.memory_space<vmem>>
        %dma_start3A_1374 = tpu.memref_slice %arg7[%dma_start3A_1364, %add3A_1363] : memref<2x16384xf32, #tpu.memory_space<vmem_shared>> -> memref<1x8xf32, #tpu.memory_space<vmem_shared>>
        %dma_start3A_1375 = tpu.memref_squeeze %dma_start3A_1374 : memref<1x8xf32, #tpu.memory_space<vmem_shared>> -> memref<8xf32, #tpu.memory_space<vmem_shared>>
        tpu.enqueue_dma source(%dma_start3A_1375 : memref<8xf32, #tpu.memory_space<vmem_shared>>) target(%dma_start3A_1373 : memref<8xf32, #tpu.memory_space<vmem>>) target_semaphore(%arg17 : memref<!tpu.dma_semaphore, #tpu.memory_space<semaphore_mem>>)
        %dma_wait3A_1376 = arith.constant 0 : i32
        %dma_wait3A_1377 = arith.constant 2 : i32
        %dma_wait3A_1378 = arith.constant 0 : i32
        %dma_wait3A_1379 = tpu.memref_slice %arg6[%dma_wait3A_1377, %dma_wait3A_1378, %sub3A_1164] : memref<4x8x1024xf32, #tpu.memory_space<vmem>> -> memref<1x8x1xf32, #tpu.memory_space<vmem>>
        %dma_wait3A_1380 = tpu.memref_squeeze %dma_wait3A_1379 : memref<1x8x1xf32, #tpu.memory_space<vmem>> -> memref<8xf32, #tpu.memory_space<vmem>>
        %dma_wait3A_1381 = tpu.memref_slice %arg7[%dma_wait3A_1376, %add3A_1363] : memref<2x16384xf32, #tpu.memory_space<vmem_shared>> -> memref<1x8xf32, #tpu.memory_space<vmem_shared>>
        %dma_wait3A_1382 = tpu.memref_squeeze %dma_wait3A_1381 : memref<1x8xf32, #tpu.memory_space<vmem_shared>> -> memref<8xf32, #tpu.memory_space<vmem_shared>>
        %dma_wait3A_1383 = arith.constant 0 : i32
        %dma_wait3A_1384 = tpu.memref_slice %arg6[%dma_wait3A_1377, %dma_wait3A_1383, %sub3A_1164] : memref<4x8x1024xf32, #tpu.memory_space<vmem>> -> memref<1x8x1xf32, #tpu.memory_space<vmem>>
        %dma_wait3A_1385 = tpu.memref_squeeze %dma_wait3A_1384 : memref<1x8x1xf32, #tpu.memory_space<vmem>> -> memref<8xf32, #tpu.memory_space<vmem>>
        %dma_wait3A_1386 = tpu.memref_slice %arg7[%dma_wait3A_1376, %add3A_1363] : memref<2x16384xf32, #tpu.memory_space<vmem_shared>> -> memref<1x8xf32, #tpu.memory_space<vmem_shared>>
        %dma_wait3A_1387 = tpu.memref_squeeze %dma_wait3A_1386 : memref<1x8xf32, #tpu.memory_space<vmem_shared>> -> memref<8xf32, #tpu.memory_space<vmem_shared>>
        tpu.wait_dma2 semaphore(%arg17 : memref<!tpu.dma_semaphore, #tpu.memory_space<semaphore_mem>>) src(%dma_wait3A_1387 : memref<8xf32, #tpu.memory_space<vmem_shared>>) dst(%dma_wait3A_1385 : memref<8xf32, #tpu.memory_space<vmem>>)
      } else {
      }
      %dma_start3A_1173 = arith.constant 2 : i32
      %dma_start3A_1174 = arith.constant 0 : i32
      %dma_start3A_1175 = arith.constant 0 : i32
      %dma_start3A_1176 = tpu.memref_slice %arg6[%dma_start3A_1173, %dma_start3A_1174, %dma_start3A_1175] : memref<4x8x1024xf32, #tpu.memory_space<vmem>> -> memref<1x8x1024xf32, #tpu.memory_space<vmem>>
      %dma_start3A_1177 = tpu.memref_squeeze %dma_start3A_1176 : memref<1x8x1024xf32, #tpu.memory_space<vmem>> -> memref<8x1024xf32, #tpu.memory_space<vmem>>
      %dma_start3A_1178 = tpu.memref_slice %arg5[%select_n3A_1100, %select_n3A_1084, %mul3A_1126, %mul3A_1144] : memref<16x16x64x4096xf32, #tpu.memory_space<hbm>> -> memref<1x1x8x1024xf32, #tpu.memory_space<hbm>>
      %dma_start3A_1179 = tpu.memref_squeeze %dma_start3A_1178 : memref<1x1x8x1024xf32, #tpu.memory_space<hbm>> -> memref<8x1024xf32, #tpu.memory_space<hbm>>
      %dma_start3A_1180 = tpu.memref_slice %arg5[%select_n3A_1100, %select_n3A_1084, %mul3A_1126, %mul3A_1144] : memref<16x16x64x4096xf32, #tpu.memory_space<hbm>> -> memref<1x1x8x1024xf32, #tpu.memory_space<hbm>>
      %dma_start3A_1181 = tpu.memref_squeeze %dma_start3A_1180 : memref<1x1x8x1024xf32, #tpu.memory_space<hbm>> -> memref<8x1024xf32, #tpu.memory_space<hbm>>
      %dma_start3A_1182 = arith.constant 0 : i32
      %dma_start3A_1183 = arith.constant 0 : i32
      %dma_start3A_1184 = tpu.memref_slice %arg6[%dma_start3A_1173, %dma_start3A_1182, %dma_start3A_1183] : memref<4x8x1024xf32, #tpu.memory_space<vmem>> -> memref<1x8x1024xf32, #tpu.memory_space<vmem>>
      %dma_start3A_1185 = tpu.memref_squeeze %dma_start3A_1184 : memref<1x8x1024xf32, #tpu.memory_space<vmem>> -> memref<8x1024xf32, #tpu.memory_space<vmem>>
      tpu.enqueue_dma source(%dma_start3A_1185 : memref<8x1024xf32, #tpu.memory_space<vmem>>) target(%dma_start3A_1181 : memref<8x1024xf32, #tpu.memory_space<hbm>>) target_semaphore(%arg15 : memref<!tpu.dma_semaphore, #tpu.memory_space<semaphore_mem>>)
      %mul3A_1186 = arith.constant 4 : i32
      %mul3A_1187 = arith.muli %scan3A_85, %mul3A_1186 : i32
      %add3A_1188 = arith.constant 3 : i32
      %add3A_1189 = arith.addi %mul3A_1187, %add3A_1188 : i32
      %mul3A_1190 = arith.constant 8 : i32
      %mul3A_1191 = arith.muli %add3A, %mul3A_1190 : i32
      %jit3A_1192 = arith.constant 32 : i32
      %div3A_1193 = arith.divsi %add3A_1189, %jit3A_1192 : i32
      %sign3A_1194 = arith.constant 0 : i32
      %sign3A_1195 = arith.cmpi sgt, %add3A_1189, %sign3A_1194 : i32
      %sign3A_1196 = arith.extui %sign3A_1195 : i1 to i32
      %sign3A_1197 = arith.constant 0 : i32
      %sign3A_1198 = arith.cmpi slt, %add3A_1189, %sign3A_1197 : i32
      %sign3A_1199 = arith.extui %sign3A_1198 : i1 to i32
      %sign3A_1200 = arith.subi %sign3A_1196, %sign3A_1199 : i32
      %sign3A_1201 = arith.constant 0 : i32
      %sign3A_1202 = arith.cmpi sgt, %jit3A_1192, %sign3A_1201 : i32
      %sign3A_1203 = arith.extui %sign3A_1202 : i1 to i32
      %sign3A_1204 = arith.constant 0 : i32
      %sign3A_1205 = arith.cmpi slt, %jit3A_1192, %sign3A_1204 : i32
      %sign3A_1206 = arith.extui %sign3A_1205 : i1 to i32
      %sign3A_1207 = arith.subi %sign3A_1203, %sign3A_1206 : i32
      %ne3A_1208 = arith.cmpi ne, %sign3A_1200, %sign3A_1207 : i32
      %rem3A_1209 = arith.remsi %add3A_1189, %jit3A_1192 : i32
      %ne3A_1210 = arith.constant 0 : i32
      %ne3A_1211 = arith.cmpi ne, %rem3A_1209, %ne3A_1210 : i32
      %and3A_1212 = arith.andi %ne3A_1208, %ne3A_1211 : i1
      %sub3A_1213 = arith.constant 1 : i32
      %sub3A_1214 = arith.subi %div3A_1193, %sub3A_1213 : i32
      %select_n3A_1215 = arith.select %and3A_1212, %sub3A_1214, %div3A_1193 : i32
      %add3A_1216 = arith.addi %mul3A_1191, %select_n3A_1215 : i32
      %jit3A_1217 = arith.constant 32 : i32
      %eq3A_1218 = arith.constant 0 : i32
      %eq3A_1219 = arith.cmpi eq, %jit3A_1217, %eq3A_1218 : i32
      %jit3A_1220 = arith.constant 1 : i32
      %select_n3A_1221 = arith.select %eq3A_1219, %jit3A_1220, %jit3A_1217 : i32
      %rem3A_1222 = arith.remsi %add3A_1189, %select_n3A_1221 : i32
      %ne3A_1223 = arith.constant 0 : i32
      %ne3A_1224 = arith.cmpi ne, %rem3A_1222, %ne3A_1223 : i32
      %lt3A_1225 = arith.constant 0 : i32
      %lt3A_1226 = arith.cmpi slt, %rem3A_1222, %lt3A_1225 : i32
      %lt3A_1227 = arith.constant 0 : i32
      %lt3A_1228 = arith.cmpi slt, %select_n3A_1221, %lt3A_1227 : i32
      %ne3A_1229 = arith.xori %lt3A_1226, %lt3A_1228 : i1
      %and3A_1230 = arith.andi %ne3A_1229, %ne3A_1224 : i1
      %add3A_1231 = arith.addi %rem3A_1222, %select_n3A_1221 : i32
      %select_n3A_1232 = arith.select %and3A_1230, %add3A_1231, %rem3A_1222 : i32
      %jit3A_1233 = arith.constant 16 : i32
      %div3A_1234 = arith.divsi %add3A_1216, %jit3A_1233 : i32
      %sign3A_1235 = arith.constant 0 : i32
      %sign3A_1236 = arith.cmpi sgt, %add3A_1216, %sign3A_1235 : i32
      %sign3A_1237 = arith.extui %sign3A_1236 : i1 to i32
      %sign3A_1238 = arith.constant 0 : i32
      %sign3A_1239 = arith.cmpi slt, %add3A_1216, %sign3A_1238 : i32
      %sign3A_1240 = arith.extui %sign3A_1239 : i1 to i32
      %sign3A_1241 = arith.subi %sign3A_1237, %sign3A_1240 : i32
      %sign3A_1242 = arith.constant 0 : i32
      %sign3A_1243 = arith.cmpi sgt, %jit3A_1233, %sign3A_1242 : i32
      %sign3A_1244 = arith.extui %sign3A_1243 : i1 to i32
      %sign3A_1245 = arith.constant 0 : i32
      %sign3A_1246 = arith.cmpi slt, %jit3A_1233, %sign3A_1245 : i32
      %sign3A_1247 = arith.extui %sign3A_1246 : i1 to i32
      %sign3A_1248 = arith.subi %sign3A_1244, %sign3A_1247 : i32
      %ne3A_1249 = arith.cmpi ne, %sign3A_1241, %sign3A_1248 : i32
      %rem3A_1250 = arith.remsi %add3A_1216, %jit3A_1233 : i32
      %ne3A_1251 = arith.constant 0 : i32
      %ne3A_1252 = arith.cmpi ne, %rem3A_1250, %ne3A_1251 : i32
      %and3A_1253 = arith.andi %ne3A_1249, %ne3A_1252 : i1
      %sub3A_1254 = arith.constant 1 : i32
      %sub3A_1255 = arith.subi %div3A_1234, %sub3A_1254 : i32
      %select_n3A_1256 = arith.select %and3A_1253, %sub3A_1255, %div3A_1234 : i32
      %jit3A_1257 = arith.constant 16 : i32
      %eq3A_1258 = arith.constant 0 : i32
      %eq3A_1259 = arith.cmpi eq, %jit3A_1257, %eq3A_1258 : i32
      %jit3A_1260 = arith.constant 1 : i32
      %select_n3A_1261 = arith.select %eq3A_1259, %jit3A_1260, %jit3A_1257 : i32
      %rem3A_1262 = arith.remsi %add3A_1216, %select_n3A_1261 : i32
      %ne3A_1263 = arith.constant 0 : i32
      %ne3A_1264 = arith.cmpi ne, %rem3A_1262, %ne3A_1263 : i32
      %lt3A_1265 = arith.constant 0 : i32
      %lt3A_1266 = arith.cmpi slt, %rem3A_1262, %lt3A_1265 : i32
      %lt3A_1267 = arith.constant 0 : i32
      %lt3A_1268 = arith.cmpi slt, %select_n3A_1261, %lt3A_1267 : i32
      %ne3A_1269 = arith.xori %lt3A_1266, %lt3A_1268 : i1
      %and3A_1270 = arith.andi %ne3A_1269, %ne3A_1264 : i1
      %add3A_1271 = arith.addi %rem3A_1262, %select_n3A_1261 : i32
      %select_n3A_1272 = arith.select %and3A_1270, %add3A_1271, %rem3A_1262 : i32
      %jit3A_1273 = arith.constant 4 : i32
      %div3A_1274 = arith.divsi %select_n3A_1232, %jit3A_1273 : i32
      %sign3A_1275 = arith.constant 0 : i32
      %sign3A_1276 = arith.cmpi sgt, %select_n3A_1232, %sign3A_1275 : i32
      %sign3A_1277 = arith.extui %sign3A_1276 : i1 to i32
      %sign3A_1278 = arith.constant 0 : i32
      %sign3A_1279 = arith.cmpi slt, %select_n3A_1232, %sign3A_1278 : i32
      %sign3A_1280 = arith.extui %sign3A_1279 : i1 to i32
      %sign3A_1281 = arith.subi %sign3A_1277, %sign3A_1280 : i32
      %sign3A_1282 = arith.constant 0 : i32
      %sign3A_1283 = arith.cmpi sgt, %jit3A_1273, %sign3A_1282 : i32
      %sign3A_1284 = arith.extui %sign3A_1283 : i1 to i32
      %sign3A_1285 = arith.constant 0 : i32
      %sign3A_1286 = arith.cmpi slt, %jit3A_1273, %sign3A_1285 : i32
      %sign3A_1287 = arith.extui %sign3A_1286 : i1 to i32
      %sign3A_1288 = arith.subi %sign3A_1284, %sign3A_1287 : i32
      %ne3A_1289 = arith.cmpi ne, %sign3A_1281, %sign3A_1288 : i32
      %rem3A_1290 = arith.remsi %select_n3A_1232, %jit3A_1273 : i32
      %ne3A_1291 = arith.constant 0 : i32
      %ne3A_1292 = arith.cmpi ne, %rem3A_1290, %ne3A_1291 : i32
      %and3A_1293 = arith.andi %ne3A_1289, %ne3A_1292 : i1
      %sub3A_1294 = arith.constant 1 : i32
      %sub3A_1295 = arith.subi %div3A_1274, %sub3A_1294 : i32
      %select_n3A_1296 = arith.select %and3A_1293, %sub3A_1295, %div3A_1274 : i32
      %mul3A_1297 = arith.constant 8 : i32
      %mul3A_1298 = arith.muli %select_n3A_1296, %mul3A_1297 : i32
      %jit3A_1299 = arith.constant 4 : i32
      %eq3A_1300 = arith.constant 0 : i32
      %eq3A_1301 = arith.cmpi eq, %jit3A_1299, %eq3A_1300 : i32
      %jit3A_1302 = arith.constant 1 : i32
      %select_n3A_1303 = arith.select %eq3A_1301, %jit3A_1302, %jit3A_1299 : i32
      %rem3A_1304 = arith.remsi %select_n3A_1232, %select_n3A_1303 : i32
      %ne3A_1305 = arith.constant 0 : i32
      %ne3A_1306 = arith.cmpi ne, %rem3A_1304, %ne3A_1305 : i32
      %lt3A_1307 = arith.constant 0 : i32
      %lt3A_1308 = arith.cmpi slt, %rem3A_1304, %lt3A_1307 : i32
      %lt3A_1309 = arith.constant 0 : i32
      %lt3A_1310 = arith.cmpi slt, %select_n3A_1303, %lt3A_1309 : i32
      %ne3A_1311 = arith.xori %lt3A_1308, %lt3A_1310 : i1
      %and3A_1312 = arith.andi %ne3A_1311, %ne3A_1306 : i1
      %add3A_1313 = arith.addi %rem3A_1304, %select_n3A_1303 : i32
      %select_n3A_1314 = arith.select %and3A_1312, %add3A_1313, %rem3A_1304 : i32
      %mul3A_1315 = arith.constant 1024 : i32
      %mul3A_1316 = arith.muli %select_n3A_1314, %mul3A_1315 : i32
      %dma_wait3A_1317 = arith.constant 0 : i32
      %dma_wait3A_1318 = arith.constant 0 : i32
      %dma_wait3A_1319 = arith.constant 3 : i32
      %dma_wait3A_1320 = arith.constant 0 : i32
      %dma_wait3A_1321 = arith.constant 0 : i32
      %dma_wait3A_1322 = tpu.memref_slice %arg6[%dma_wait3A_1319, %dma_wait3A_1320, %dma_wait3A_1321] : memref<4x8x1024xf32, #tpu.memory_space<vmem>> -> memref<1x8x1024xf32, #tpu.memory_space<vmem>>
      %dma_wait3A_1323 = tpu.memref_squeeze %dma_wait3A_1322 : memref<1x8x1024xf32, #tpu.memory_space<vmem>> -> memref<8x1024xf32, #tpu.memory_space<vmem>>
      %dma_wait3A_1324 = arith.constant 0 : i32
      %dma_wait3A_1325 = arith.constant 0 : i32
      %dma_wait3A_1326 = tpu.memref_slice %arg4[%dma_wait3A_1317, %dma_wait3A_1318, %dma_wait3A_1324, %dma_wait3A_1325] : memref<16x16x64x4096xf32, #tpu.memory_space<hbm>> -> memref<1x1x8x1024xf32, #tpu.memory_space<hbm>>
      %dma_wait3A_1327 = tpu.memref_squeeze %dma_wait3A_1326 : memref<1x1x8x1024xf32, #tpu.memory_space<hbm>> -> memref<8x1024xf32, #tpu.memory_space<hbm>>
      %dma_wait3A_1328 = arith.constant 0 : i32
      %dma_wait3A_1329 = arith.constant 0 : i32
      %dma_wait3A_1330 = tpu.memref_slice %arg6[%dma_wait3A_1319, %dma_wait3A_1328, %dma_wait3A_1329] : memref<4x8x1024xf32, #tpu.memory_space<vmem>> -> memref<1x8x1024xf32, #tpu.memory_space<vmem>>
      %dma_wait3A_1331 = tpu.memref_squeeze %dma_wait3A_1330 : memref<1x8x1024xf32, #tpu.memory_space<vmem>> -> memref<8x1024xf32, #tpu.memory_space<vmem>>
      %dma_wait3A_1332 = arith.constant 0 : i32
      %dma_wait3A_1333 = arith.constant 0 : i32
      %dma_wait3A_1334 = tpu.memref_slice %arg4[%dma_wait3A_1317, %dma_wait3A_1318, %dma_wait3A_1332, %dma_wait3A_1333] : memref<16x16x64x4096xf32, #tpu.memory_space<hbm>> -> memref<1x1x8x1024xf32, #tpu.memory_space<hbm>>
      %dma_wait3A_1335 = tpu.memref_squeeze %dma_wait3A_1334 : memref<1x1x8x1024xf32, #tpu.memory_space<hbm>> -> memref<8x1024xf32, #tpu.memory_space<hbm>>
      tpu.wait_dma2 semaphore(%arg12 : memref<!tpu.dma_semaphore, #tpu.memory_space<semaphore_mem>>) src(%dma_wait3A_1335 : memref<8x1024xf32, #tpu.memory_space<hbm>>) dst(%dma_wait3A_1331 : memref<8x1024xf32, #tpu.memory_space<vmem>>)
      %sub3A_1336 = arith.subi %squeeze3A, %mul3A_1316 : i32
      %ge3A_1337 = arith.constant 0 : i32
      %ge3A_1338 = arith.cmpi sge, %sub3A_1336, %ge3A_1337 : i32
      %lt3A_1339 = arith.constant 1024 : i32
      %lt3A_1340 = arith.cmpi slt, %sub3A_1336, %lt3A_1339 : i32
      %and3A_1341 = arith.andi %ge3A_1338, %lt3A_1340 : i1
      %convert_element_type3A_1342 = arith.extui %and3A_1341 : i1 to i32
      %cond3A_1343 = arith.constant 0 : i32
      %cond3A_1344 = arith.cmpi ne, %convert_element_type3A_1342, %cond3A_1343 : i32
      scf.if %cond3A_1344 {
        %mul3A_1358 = arith.constant 16 : i32
        %mul3A_1359 = arith.muli %select_n3A_1272, %mul3A_1358 : i32
        %add3A_1360 = arith.addi %mul3A_1359, %select_n3A_1256 : i32
        %mul3A_1361 = arith.constant 64 : i32
        %mul3A_1362 = arith.muli %add3A_1360, %mul3A_1361 : i32
        %add3A_1363 = arith.addi %mul3A_1362, %mul3A_1298 : i32
        %dma_start3A_1364 = arith.constant 0 : i32
        %dma_start3A_1365 = arith.constant 3 : i32
        %dma_start3A_1366 = arith.constant 0 : i32
        %dma_start3A_1367 = tpu.memref_slice %arg6[%dma_start3A_1365, %dma_start3A_1366, %sub3A_1336] : memref<4x8x1024xf32, #tpu.memory_space<vmem>> -> memref<1x8x1xf32, #tpu.memory_space<vmem>>
        %dma_start3A_1368 = tpu.memref_squeeze %dma_start3A_1367 : memref<1x8x1xf32, #tpu.memory_space<vmem>> -> memref<8xf32, #tpu.memory_space<vmem>>
        %dma_start3A_1369 = tpu.memref_slice %arg7[%dma_start3A_1364, %add3A_1363] : memref<2x16384xf32, #tpu.memory_space<vmem_shared>> -> memref<1x8xf32, #tpu.memory_space<vmem_shared>>
        %dma_start3A_1370 = tpu.memref_squeeze %dma_start3A_1369 : memref<1x8xf32, #tpu.memory_space<vmem_shared>> -> memref<8xf32, #tpu.memory_space<vmem_shared>>
        %dma_start3A_1371 = arith.constant 0 : i32
        %dma_start3A_1372 = tpu.memref_slice %arg6[%dma_start3A_1365, %dma_start3A_1371, %sub3A_1336] : memref<4x8x1024xf32, #tpu.memory_space<vmem>> -> memref<1x8x1xf32, #tpu.memory_space<vmem>>
        %dma_start3A_1373 = tpu.memref_squeeze %dma_start3A_1372 : memref<1x8x1xf32, #tpu.memory_space<vmem>> -> memref<8xf32, #tpu.memory_space<vmem>>
        %dma_start3A_1374 = tpu.memref_slice %arg7[%dma_start3A_1364, %add3A_1363] : memref<2x16384xf32, #tpu.memory_space<vmem_shared>> -> memref<1x8xf32, #tpu.memory_space<vmem_shared>>
        %dma_start3A_1375 = tpu.memref_squeeze %dma_start3A_1374 : memref<1x8xf32, #tpu.memory_space<vmem_shared>> -> memref<8xf32, #tpu.memory_space<vmem_shared>>
        tpu.enqueue_dma source(%dma_start3A_1375 : memref<8xf32, #tpu.memory_space<vmem_shared>>) target(%dma_start3A_1373 : memref<8xf32, #tpu.memory_space<vmem>>) target_semaphore(%arg17 : memref<!tpu.dma_semaphore, #tpu.memory_space<semaphore_mem>>)
        %dma_wait3A_1376 = arith.constant 0 : i32
        %dma_wait3A_1377 = arith.constant 3 : i32
        %dma_wait3A_1378 = arith.constant 0 : i32
        %dma_wait3A_1379 = tpu.memref_slice %arg6[%dma_wait3A_1377, %dma_wait3A_1378, %sub3A_1336] : memref<4x8x1024xf32, #tpu.memory_space<vmem>> -> memref<1x8x1xf32, #tpu.memory_space<vmem>>
        %dma_wait3A_1380 = tpu.memref_squeeze %dma_wait3A_1379 : memref<1x8x1xf32, #tpu.memory_space<vmem>> -> memref<8xf32, #tpu.memory_space<vmem>>
        %dma_wait3A_1381 = tpu.memref_slice %arg7[%dma_wait3A_1376, %add3A_1363] : memref<2x16384xf32, #tpu.memory_space<vmem_shared>> -> memref<1x8xf32, #tpu.memory_space<vmem_shared>>
        %dma_wait3A_1382 = tpu.memref_squeeze %dma_wait3A_1381 : memref<1x8xf32, #tpu.memory_space<vmem_shared>> -> memref<8xf32, #tpu.memory_space<vmem_shared>>
        %dma_wait3A_1383 = arith.constant 0 : i32
        %dma_wait3A_1384 = tpu.memref_slice %arg6[%dma_wait3A_1377, %dma_wait3A_1383, %sub3A_1336] : memref<4x8x1024xf32, #tpu.memory_space<vmem>> -> memref<1x8x1xf32, #tpu.memory_space<vmem>>
        %dma_wait3A_1385 = tpu.memref_squeeze %dma_wait3A_1384 : memref<1x8x1xf32, #tpu.memory_space<vmem>> -> memref<8xf32, #tpu.memory_space<vmem>>
        %dma_wait3A_1386 = tpu.memref_slice %arg7[%dma_wait3A_1376, %add3A_1363] : memref<2x16384xf32, #tpu.memory_space<vmem_shared>> -> memref<1x8xf32, #tpu.memory_space<vmem_shared>>
        %dma_wait3A_1387 = tpu.memref_squeeze %dma_wait3A_1386 : memref<1x8xf32, #tpu.memory_space<vmem_shared>> -> memref<8xf32, #tpu.memory_space<vmem_shared>>
        tpu.wait_dma2 semaphore(%arg17 : memref<!tpu.dma_semaphore, #tpu.memory_space<semaphore_mem>>) src(%dma_wait3A_1387 : memref<8xf32, #tpu.memory_space<vmem_shared>>) dst(%dma_wait3A_1385 : memref<8xf32, #tpu.memory_space<vmem>>)
      } else {
      }
      %dma_start3A_1345 = arith.constant 3 : i32
      %dma_start3A_1346 = arith.constant 0 : i32
      %dma_start3A_1347 = arith.constant 0 : i32
      %dma_start3A_1348 = tpu.memref_slice %arg6[%dma_start3A_1345, %dma_start3A_1346, %dma_start3A_1347] : memref<4x8x1024xf32, #tpu.memory_space<vmem>> -> memref<1x8x1024xf32, #tpu.memory_space<vmem>>
      %dma_start3A_1349 = tpu.memref_squeeze %dma_start3A_1348 : memref<1x8x1024xf32, #tpu.memory_space<vmem>> -> memref<8x1024xf32, #tpu.memory_space<vmem>>
      %dma_start3A_1350 = tpu.memref_slice %arg5[%select_n3A_1272, %select_n3A_1256, %mul3A_1298, %mul3A_1316] : memref<16x16x64x4096xf32, #tpu.memory_space<hbm>> -> memref<1x1x8x1024xf32, #tpu.memory_space<hbm>>
      %dma_start3A_1351 = tpu.memref_squeeze %dma_start3A_1350 : memref<1x1x8x1024xf32, #tpu.memory_space<hbm>> -> memref<8x1024xf32, #tpu.memory_space<hbm>>
      %dma_start3A_1352 = tpu.memref_slice %arg5[%select_n3A_1272, %select_n3A_1256, %mul3A_1298, %mul3A_1316] : memref<16x16x64x4096xf32, #tpu.memory_space<hbm>> -> memref<1x1x8x1024xf32, #tpu.memory_space<hbm>>
      %dma_start3A_1353 = tpu.memref_squeeze %dma_start3A_1352 : memref<1x1x8x1024xf32, #tpu.memory_space<hbm>> -> memref<8x1024xf32, #tpu.memory_space<hbm>>
      %dma_start3A_1354 = arith.constant 0 : i32
      %dma_start3A_1355 = arith.constant 0 : i32
      %dma_start3A_1356 = tpu.memref_slice %arg6[%dma_start3A_1345, %dma_start3A_1354, %dma_start3A_1355] : memref<4x8x1024xf32, #tpu.memory_space<vmem>> -> memref<1x8x1024xf32, #tpu.memory_space<vmem>>
      %dma_start3A_1357 = tpu.memref_squeeze %dma_start3A_1356 : memref<1x8x1024xf32, #tpu.memory_space<vmem>> -> memref<8x1024xf32, #tpu.memory_space<vmem>>
      tpu.enqueue_dma source(%dma_start3A_1357 : memref<8x1024xf32, #tpu.memory_space<vmem>>) target(%dma_start3A_1353 : memref<8x1024xf32, #tpu.memory_space<hbm>>) target_semaphore(%arg16 : memref<!tpu.dma_semaphore, #tpu.memory_space<semaphore_mem>>)
    }
    %scan3A_9 = arith.constant 64 : i32
    %dma_wait3A = arith.constant 0 : i32
    %dma_wait3A_10 = arith.constant 0 : i32
    %dma_wait3A_11 = arith.constant 0 : i32
    %dma_wait3A_12 = arith.constant 0 : i32
    %dma_wait3A_13 = arith.constant 0 : i32
    %dma_wait3A_14 = tpu.memref_slice %arg6[%dma_wait3A, %dma_wait3A_12, %dma_wait3A_13] : memref<4x8x1024xf32, #tpu.memory_space<vmem>> -> memref<1x8x1024xf32, #tpu.memory_space<vmem>>
    %dma_wait3A_15 = tpu.memref_squeeze %dma_wait3A_14 : memref<1x8x1024xf32, #tpu.memory_space<vmem>> -> memref<8x1024xf32, #tpu.memory_space<vmem>>
    %dma_wait3A_16 = arith.constant 0 : i32
    %dma_wait3A_17 = arith.constant 0 : i32
    %dma_wait3A_18 = tpu.memref_slice %arg5[%dma_wait3A_10, %dma_wait3A_11, %dma_wait3A_16, %dma_wait3A_17] : memref<16x16x64x4096xf32, #tpu.memory_space<hbm>> -> memref<1x1x8x1024xf32, #tpu.memory_space<hbm>>
    %dma_wait3A_19 = tpu.memref_squeeze %dma_wait3A_18 : memref<1x1x8x1024xf32, #tpu.memory_space<hbm>> -> memref<8x1024xf32, #tpu.memory_space<hbm>>
    %dma_wait3A_20 = arith.constant 0 : i32
    %dma_wait3A_21 = arith.constant 0 : i32
    %dma_wait3A_22 = tpu.memref_slice %arg5[%dma_wait3A_10, %dma_wait3A_11, %dma_wait3A_20, %dma_wait3A_21] : memref<16x16x64x4096xf32, #tpu.memory_space<hbm>> -> memref<1x1x8x1024xf32, #tpu.memory_space<hbm>>
    %dma_wait3A_23 = tpu.memref_squeeze %dma_wait3A_22 : memref<1x1x8x1024xf32, #tpu.memory_space<hbm>> -> memref<8x1024xf32, #tpu.memory_space<hbm>>
    %dma_wait3A_24 = arith.constant 0 : i32
    %dma_wait3A_25 = arith.constant 0 : i32
    %dma_wait3A_26 = tpu.memref_slice %arg6[%dma_wait3A, %dma_wait3A_24, %dma_wait3A_25] : memref<4x8x1024xf32, #tpu.memory_space<vmem>> -> memref<1x8x1024xf32, #tpu.memory_space<vmem>>
    %dma_wait3A_27 = tpu.memref_squeeze %dma_wait3A_26 : memref<1x8x1024xf32, #tpu.memory_space<vmem>> -> memref<8x1024xf32, #tpu.memory_space<vmem>>
    tpu.wait_dma2 semaphore(%arg13 : memref<!tpu.dma_semaphore, #tpu.memory_space<semaphore_mem>>) src(%dma_wait3A_27 : memref<8x1024xf32, #tpu.memory_space<vmem>>) dst(%dma_wait3A_23 : memref<8x1024xf32, #tpu.memory_space<hbm>>)
    %dma_wait3A_28 = arith.constant 1 : i32
    %dma_wait3A_29 = arith.constant 0 : i32
    %dma_wait3A_30 = arith.constant 0 : i32
    %dma_wait3A_31 = arith.constant 0 : i32
    %dma_wait3A_32 = arith.constant 0 : i32
    %dma_wait3A_33 = tpu.memref_slice %arg6[%dma_wait3A_28, %dma_wait3A_31, %dma_wait3A_32] : memref<4x8x1024xf32, #tpu.memory_space<vmem>> -> memref<1x8x1024xf32, #tpu.memory_space<vmem>>
    %dma_wait3A_34 = tpu.memref_squeeze %dma_wait3A_33 : memref<1x8x1024xf32, #tpu.memory_space<vmem>> -> memref<8x1024xf32, #tpu.memory_space<vmem>>
    %dma_wait3A_35 = arith.constant 0 : i32
    %dma_wait3A_36 = arith.constant 0 : i32
    %dma_wait3A_37 = tpu.memref_slice %arg5[%dma_wait3A_29, %dma_wait3A_30, %dma_wait3A_35, %dma_wait3A_36] : memref<16x16x64x4096xf32, #tpu.memory_space<hbm>> -> memref<1x1x8x1024xf32, #tpu.memory_space<hbm>>
    %dma_wait3A_38 = tpu.memref_squeeze %dma_wait3A_37 : memref<1x1x8x1024xf32, #tpu.memory_space<hbm>> -> memref<8x1024xf32, #tpu.memory_space<hbm>>
    %dma_wait3A_39 = arith.constant 0 : i32
    %dma_wait3A_40 = arith.constant 0 : i32
    %dma_wait3A_41 = tpu.memref_slice %arg5[%dma_wait3A_29, %dma_wait3A_30, %dma_wait3A_39, %dma_wait3A_40] : memref<16x16x64x4096xf32, #tpu.memory_space<hbm>> -> memref<1x1x8x1024xf32, #tpu.memory_space<hbm>>
    %dma_wait3A_42 = tpu.memref_squeeze %dma_wait3A_41 : memref<1x1x8x1024xf32, #tpu.memory_space<hbm>> -> memref<8x1024xf32, #tpu.memory_space<hbm>>
    %dma_wait3A_43 = arith.constant 0 : i32
    %dma_wait3A_44 = arith.constant 0 : i32
    %dma_wait3A_45 = tpu.memref_slice %arg6[%dma_wait3A_28, %dma_wait3A_43, %dma_wait3A_44] : memref<4x8x1024xf32, #tpu.memory_space<vmem>> -> memref<1x8x1024xf32, #tpu.memory_space<vmem>>
    %dma_wait3A_46 = tpu.memref_squeeze %dma_wait3A_45 : memref<1x8x1024xf32, #tpu.memory_space<vmem>> -> memref<8x1024xf32, #tpu.memory_space<vmem>>
    tpu.wait_dma2 semaphore(%arg14 : memref<!tpu.dma_semaphore, #tpu.memory_space<semaphore_mem>>) src(%dma_wait3A_46 : memref<8x1024xf32, #tpu.memory_space<vmem>>) dst(%dma_wait3A_42 : memref<8x1024xf32, #tpu.memory_space<hbm>>)
    %dma_wait3A_47 = arith.constant 2 : i32
    %dma_wait3A_48 = arith.constant 0 : i32
    %dma_wait3A_49 = arith.constant 0 : i32
    %dma_wait3A_50 = arith.constant 0 : i32
    %dma_wait3A_51 = arith.constant 0 : i32
    %dma_wait3A_52 = tpu.memref_slice %arg6[%dma_wait3A_47, %dma_wait3A_50, %dma_wait3A_51] : memref<4x8x1024xf32, #tpu.memory_space<vmem>> -> memref<1x8x1024xf32, #tpu.memory_space<vmem>>
    %dma_wait3A_53 = tpu.memref_squeeze %dma_wait3A_52 : memref<1x8x1024xf32, #tpu.memory_space<vmem>> -> memref<8x1024xf32, #tpu.memory_space<vmem>>
    %dma_wait3A_54 = arith.constant 0 : i32
    %dma_wait3A_55 = arith.constant 0 : i32
    %dma_wait3A_56 = tpu.memref_slice %arg5[%dma_wait3A_48, %dma_wait3A_49, %dma_wait3A_54, %dma_wait3A_55] : memref<16x16x64x4096xf32, #tpu.memory_space<hbm>> -> memref<1x1x8x1024xf32, #tpu.memory_space<hbm>>
    %dma_wait3A_57 = tpu.memref_squeeze %dma_wait3A_56 : memref<1x1x8x1024xf32, #tpu.memory_space<hbm>> -> memref<8x1024xf32, #tpu.memory_space<hbm>>
    %dma_wait3A_58 = arith.constant 0 : i32
    %dma_wait3A_59 = arith.constant 0 : i32
    %dma_wait3A_60 = tpu.memref_slice %arg5[%dma_wait3A_48, %dma_wait3A_49, %dma_wait3A_58, %dma_wait3A_59] : memref<16x16x64x4096xf32, #tpu.memory_space<hbm>> -> memref<1x1x8x1024xf32, #tpu.memory_space<hbm>>
    %dma_wait3A_61 = tpu.memref_squeeze %dma_wait3A_60 : memref<1x1x8x1024xf32, #tpu.memory_space<hbm>> -> memref<8x1024xf32, #tpu.memory_space<hbm>>
    %dma_wait3A_62 = arith.constant 0 : i32
    %dma_wait3A_63 = arith.constant 0 : i32
    %dma_wait3A_64 = tpu.memref_slice %arg6[%dma_wait3A_47, %dma_wait3A_62, %dma_wait3A_63] : memref<4x8x1024xf32, #tpu.memory_space<vmem>> -> memref<1x8x1024xf32, #tpu.memory_space<vmem>>
    %dma_wait3A_65 = tpu.memref_squeeze %dma_wait3A_64 : memref<1x8x1024xf32, #tpu.memory_space<vmem>> -> memref<8x1024xf32, #tpu.memory_space<vmem>>
    tpu.wait_dma2 semaphore(%arg15 : memref<!tpu.dma_semaphore, #tpu.memory_space<semaphore_mem>>) src(%dma_wait3A_65 : memref<8x1024xf32, #tpu.memory_space<vmem>>) dst(%dma_wait3A_61 : memref<8x1024xf32, #tpu.memory_space<hbm>>)
    %dma_wait3A_66 = arith.constant 3 : i32
    %dma_wait3A_67 = arith.constant 0 : i32
    %dma_wait3A_68 = arith.constant 0 : i32
    %dma_wait3A_69 = arith.constant 0 : i32
    %dma_wait3A_70 = arith.constant 0 : i32
    %dma_wait3A_71 = tpu.memref_slice %arg6[%dma_wait3A_66, %dma_wait3A_69, %dma_wait3A_70] : memref<4x8x1024xf32, #tpu.memory_space<vmem>> -> memref<1x8x1024xf32, #tpu.memory_space<vmem>>
    %dma_wait3A_72 = tpu.memref_squeeze %dma_wait3A_71 : memref<1x8x1024xf32, #tpu.memory_space<vmem>> -> memref<8x1024xf32, #tpu.memory_space<vmem>>
    %dma_wait3A_73 = arith.constant 0 : i32
    %dma_wait3A_74 = arith.constant 0 : i32
    %dma_wait3A_75 = tpu.memref_slice %arg5[%dma_wait3A_67, %dma_wait3A_68, %dma_wait3A_73, %dma_wait3A_74] : memref<16x16x64x4096xf32, #tpu.memory_space<hbm>> -> memref<1x1x8x1024xf32, #tpu.memory_space<hbm>>
    %dma_wait3A_76 = tpu.memref_squeeze %dma_wait3A_75 : memref<1x1x8x1024xf32, #tpu.memory_space<hbm>> -> memref<8x1024xf32, #tpu.memory_space<hbm>>
    %dma_wait3A_77 = arith.constant 0 : i32
    %dma_wait3A_78 = arith.constant 0 : i32
    %dma_wait3A_79 = tpu.memref_slice %arg5[%dma_wait3A_67, %dma_wait3A_68, %dma_wait3A_77, %dma_wait3A_78] : memref<16x16x64x4096xf32, #tpu.memory_space<hbm>> -> memref<1x1x8x1024xf32, #tpu.memory_space<hbm>>
    %dma_wait3A_80 = tpu.memref_squeeze %dma_wait3A_79 : memref<1x1x8x1024xf32, #tpu.memory_space<hbm>> -> memref<8x1024xf32, #tpu.memory_space<hbm>>
    %dma_wait3A_81 = arith.constant 0 : i32
    %dma_wait3A_82 = arith.constant 0 : i32
    %dma_wait3A_83 = tpu.memref_slice %arg6[%dma_wait3A_66, %dma_wait3A_81, %dma_wait3A_82] : memref<4x8x1024xf32, #tpu.memory_space<vmem>> -> memref<1x8x1024xf32, #tpu.memory_space<vmem>>
    %dma_wait3A_84 = tpu.memref_squeeze %dma_wait3A_83 : memref<1x8x1024xf32, #tpu.memory_space<vmem>> -> memref<8x1024xf32, #tpu.memory_space<vmem>>
    tpu.wait_dma2 semaphore(%arg16 : memref<!tpu.dma_semaphore, #tpu.memory_space<semaphore_mem>>) src(%dma_wait3A_84 : memref<8x1024xf32, #tpu.memory_space<vmem>>) dst(%dma_wait3A_80 : memref<8x1024xf32, #tpu.memory_space<hbm>>)
    return
  }
}

module attributes {stable_mosaic.version = 14 : i64} {
  func.func @_tc_body(%arg0: i32, %arg1: i32, %arg2: memref<1xi32, #tpu.memory_space<smem>>, %arg3: memref<1x1x64x4096xf32, #tpu.memory_space<vmem>>, %arg4: memref<1x1x64x1xf32, #tpu.memory_space<vmem>>, %arg5: memref<1x1x64x4096xf32, #tpu.memory_space<vmem>>) attributes {dimension_semantics = [#tpu.dimension_semantics<arbitrary>, #tpu.dimension_semantics<arbitrary>], iteration_bounds = array<i64: 16, 16>, scalar_prefetch = 1 : i64, scratch_operands = 0 : i64, tpu.core_type = #tpu.core_type<tc>, window_params = [{transform_indices = @transform_0, window_bounds = array<i64: 1, 1, 64, 4096>}, {transform_indices = @transform_1, window_bounds = array<i64: 1, 1, 64, 1>}, {transform_indices = @transform_2, window_bounds = array<i64: 1, 1, 64, 4096>}]} {
    %get3A = arith.constant 0 : index
    %get3A_0 = memref.load %arg2[%get3A] : memref<1xi32, #tpu.memory_space<smem>>
    %jit3A = arith.constant 128 : i32
    %div3A = arith.divsi %get3A_0, %jit3A : i32
    %sign3A = arith.constant 0 : i32
    %sign3A_1 = arith.cmpi sgt, %get3A_0, %sign3A : i32
    %sign3A_2 = arith.extui %sign3A_1 : i1 to i32
    %sign3A_3 = arith.constant 0 : i32
    %sign3A_4 = arith.cmpi slt, %get3A_0, %sign3A_3 : i32
    %sign3A_5 = arith.extui %sign3A_4 : i1 to i32
    %sign3A_6 = arith.subi %sign3A_2, %sign3A_5 : i32
    %sign3A_7 = arith.constant 0 : i32
    %sign3A_8 = arith.cmpi sgt, %jit3A, %sign3A_7 : i32
    %sign3A_9 = arith.extui %sign3A_8 : i1 to i32
    %sign3A_10 = arith.constant 0 : i32
    %sign3A_11 = arith.cmpi slt, %jit3A, %sign3A_10 : i32
    %sign3A_12 = arith.extui %sign3A_11 : i1 to i32
    %sign3A_13 = arith.subi %sign3A_9, %sign3A_12 : i32
    %ne3A = arith.cmpi ne, %sign3A_6, %sign3A_13 : i32
    %rem3A = arith.remsi %get3A_0, %jit3A : i32
    %ne3A_14 = arith.constant 0 : i32
    %ne3A_15 = arith.cmpi ne, %rem3A, %ne3A_14 : i32
    %and3A = arith.andi %ne3A, %ne3A_15 : i1
    %sub3A = arith.constant 1 : i32
    %sub3A_16 = arith.subi %div3A, %sub3A : i32
    %select_n3A = arith.select %and3A, %sub3A_16, %div3A : i32
    %mul3A = arith.constant 128 : i32
    %mul3A_17 = arith.muli %select_n3A, %mul3A : i32
    %multiple_of3A = tpu.assume_multiple %mul3A_17, 128 : i32
    %get3A_18 = arith.constant 0 : index
    %get3A_19 = arith.constant 0 : index
    %get3A_20 = arith.constant 0 : index
    %get3A_21 = arith.constant 0 : index
    %get3A_22 = vector.load %arg3[%get3A_18, %get3A_19, %get3A_20, %get3A_21] : memref<1x1x64x4096xf32, #tpu.memory_space<vmem>>, vector<1x1x64x4096xf32>
    %get3A_23 = vector.shape_cast %get3A_22 : vector<1x1x64x4096xf32> to vector<64x4096xf32>
    %swap3A = arith.constant 0 : index
    %swap3A_24 = arith.constant 0 : index
    %swap3A_25 = arith.constant 0 : index
    %swap3A_26 = arith.constant 0 : index
    %swap3A_27 = vector.load %arg5[%swap3A, %swap3A_24, %swap3A_25, %swap3A_26] : memref<1x1x64x4096xf32, #tpu.memory_space<vmem>>, vector<1x1x64x4096xf32>
    %swap3A_28 = vector.shape_cast %swap3A_27 : vector<1x1x64x4096xf32> to vector<64x4096xf32>
    %swap3A_29 = vector.shape_cast %get3A_23 : vector<64x4096xf32> to vector<1x1x64x4096xf32>
    tpu.vector_store %arg5[%swap3A, %swap3A_24, %swap3A_25, %swap3A_26], %swap3A_29 {strides = array<i32>} : memref<1x1x64x4096xf32, #tpu.memory_space<vmem>>, vector<1x1x64x4096xf32>,
    %get3A_30 = arith.constant 0 : index
    %get3A_31 = arith.constant 0 : index
    %get3A_32 = arith.constant 0 : index
    %get3A_33 = arith.index_cast %multiple_of3A : i32 to index
    %get3A_34 = vector.load %arg3[%get3A_30, %get3A_31, %get3A_32, %get3A_33] : memref<1x1x64x4096xf32, #tpu.memory_space<vmem>>, vector<1x1x64x128xf32>
    %get3A_35 = vector.shape_cast %get3A_34 : vector<1x1x64x128xf32> to vector<64x128xf32>
    %iota3A = tpu.iota {dimensions = array<i32: 1>} : vector<64x128xi32>
    %add3A = vector.broadcast %multiple_of3A : i32 to vector<64x128xi32>
    %add3A_36 = arith.addi %iota3A, %add3A : vector<64x128xi32>
    %eq3A = vector.broadcast %get3A_0 : i32 to vector<64x128xi32>
    %eq3A_37 = arith.cmpi eq, %add3A_36, %eq3A : vector<64x128xi32>
    %get3A_38 = arith.constant 0 : index
    %get3A_39 = arith.constant 0 : index
    %get3A_40 = arith.constant 0 : index
    %get3A_41 = arith.constant 0 : index
    %get3A_42 = vector.load %arg4[%get3A_38, %get3A_39, %get3A_40, %get3A_41] : memref<1x1x64x1xf32, #tpu.memory_space<vmem>>, vector<1x1x64x1xf32>
    %get3A_43 = vector.shape_cast %get3A_42 : vector<1x1x64x1xf32> to vector<64x1xf32>
    %broadcast_in_dim3A = vector.shape_cast %get3A_43 : vector<64x1xf32> to vector<64x1xf32>
    %broadcast_in_dim3A_44 = vector.broadcast %broadcast_in_dim3A : vector<64x1xf32> to vector<64x128xf32>
    %select_n3A_45 = arith.select %eq3A_37, %broadcast_in_dim3A_44, %get3A_35 : vector<64x128xi1>, vector<64x128xf32>
    %swap3A_46 = arith.constant 0 : index
    %swap3A_47 = arith.constant 0 : index
    %swap3A_48 = arith.constant 0 : index
    %swap3A_49 = arith.index_cast %multiple_of3A : i32 to index
    %swap3A_50 = vector.load %arg5[%swap3A_46, %swap3A_47, %swap3A_48, %swap3A_49] : memref<1x1x64x4096xf32, #tpu.memory_space<vmem>>, vector<1x1x64x128xf32>
    %swap3A_51 = vector.shape_cast %swap3A_50 : vector<1x1x64x128xf32> to vector<64x128xf32>
    %swap3A_52 = vector.shape_cast %select_n3A_45 : vector<64x128xf32> to vector<1x1x64x128xf32>
    tpu.vector_store %arg5[%swap3A_46, %swap3A_47, %swap3A_48, %swap3A_49], %swap3A_52 {strides = array<i32>} : memref<1x1x64x4096xf32, #tpu.memory_space<vmem>>, vector<1x1x64x128xf32>,
    return
  }
  func.func @transform_0(%arg0: i32, %arg1: i32, %arg2: memref<1xi32, #tpu.memory_space<smem>>) -> (i32, i32, i32, i32) {
    %c0_i32 = arith.constant 0 : i32
    %c0_i32_0 = arith.constant 0 : i32
    %c0_i32_1 = arith.constant 0 : i32
    return %arg1, %arg0, %c0_i32, %c0_i32_0 : i32, i32, i32, i32
  }
  func.func @transform_1(%arg0: i32, %arg1: i32, %arg2: memref<1xi32, #tpu.memory_space<smem>>) -> (i32, i32, i32, i32) {
    %c0_i32 = arith.constant 0 : i32
    %c0_i32_0 = arith.constant 0 : i32
    %c0_i32_1 = arith.constant 0 : i32
    return %arg0, %arg1, %c0_i32, %c0_i32_0 : i32, i32, i32, i32
  }
  func.func @transform_2(%arg0: i32, %arg1: i32, %arg2: memref<1xi32, #tpu.memory_space<smem>>) -> (i32, i32, i32, i32) {
    %c0_i32 = arith.constant 0 : i32
    %c0_i32_0 = arith.constant 0 : i32
    %c0_i32_1 = arith.constant 0 : i32
    return %arg0, %arg1, %c0_i32, %c0_i32_0 : i32, i32, i32, i32
  }
}

</mosaic_0001>

<sc_bundles>
// kernel: kernel.4.cloned.1.call-start
scs
__scs_entry_jumppad:
0x0: {  	(pc) =	sbr.rel $0x88, $3  }
0x1: {  	(tag) =	ssettag $0x0;
	lr =	simm.s32 $0x1  }
0x2: {  	[smem:$0x3F9C] =	sst lr;
	_ =	strace $0xD0000000  }
0x3: {  	_ = 	snop  }
0x4: {  	_ = 	snop  }
0x5: {  	_ = 	snop  }
0x6: {  	_ = 	snop  }
0x7: {  	_ = 	snop  }
__scs_overlays_trampoline_lowered:
0x8: {  	[smem:$0x3FAB] =	sst s0  }
0x9: {  	[smem:$0x3FAC] =	sst s1  }
0xa: {  	[smem:$0x3FAD] =	sst s2  }
0xb: {  	[smem:$0x3FAE] =	sst s3  }
0xc: {  	[smem:$0x3FAF] =	sst s4  }
0xd: {  	[smem:$0x3FB0] =	sst s5  }
0xe: {  	[smem:$0x3FB1] =	sst s6  }
0xf: {  	[smem:$0x3FB2] =	sst s7  }
0x10: {  	[smem:$0x3FB3] =	sst s8  }
0x11: {  	[smem:$0x3FB4] =	sst s9;
	s0 =	simm.s32 @!p0 $0x0  }
0x12: {  	s1 =	sld [smem:$0x3F9A];
	s0 =	simm.s32 @p0 $0x1  }
0x13: {  	[smem:$0x3FB5] =	sst s0;
	s0 =	simm.s32 @!p1 $0x0  }
0x14: {  	s2 =	sld [smem:$0x3F99];
	s0 =	simm.s32 @p1 $0x1  }
0x15: {  	[smem:$0x3FB6] =	sst s0;
	s0 =	simm.s32 @!p2 $0x0  }
0x16: {  	s3 =	sld [smem:$0x3FDB];
	s0 =	simm.s32 @p2 $0x1  }
0x17: {  	s4 =	simm.s32 $0x1BF5;
	[smem:$0x3FB8] =	sst s0  }
0x18: {  	s0 =	sld [smem:$0x3F9B];
	_ =	swait.ge [sflag:s4], $0x0  }
0x19: {  	s7 =	sld [smem:$0x3F9C]  }
0x1a: {  	s8 =	sadd.s32 $0xFFFFE003, lr  }
0x1b: {  	s9 =	sadd.s32 $0xFFFFFEF7, lr;
	s5 =	simm.s32 $0xFFFFFFFF;
	p2 =	slt.u32 s8, $0xFFFFF086  }
0x1c: {  	p1 =	slt.u32 s9, $0xF7A;
	s5 =	simm.s32 @!p2 $0x0  }
0x1d: {  	s5 =	simm.s32 @p1 $0x1;
	p0 =	seq.s32 s7, s2  }
0x1e: {  	s7 =	smul.u32 @!p0 $0xF7A, s2;
	p2 =	seq.s32 @!p0 s5, $0x0  }
0x1f: {  	s9 =	smul.u32 $0xF7A, s1;
	s8 =	simm.s32 @!p0 $0x1BF5;
	p2 =	por !p2, p0  }
0x20: {  	[sflag:s8] =	ssyncset.s32 @!p0 $0xFFFFF086;
	s6 =	sadd.s32 @!p0 s3, s7;
	s7 =	simm.s32 @!p0 $0x108  }
0x21: {  	s3 =	sadd.s32 s3, s9;
	s6 =	sadd.s32 @!p0 $0x88, s6;
	s7 =	simm.s32 @p2 $0x1082  }
0x22: {  	[simem:s7], [sflag:s8] =	dma.local @!p0 [hbm:s6], $0xF7A  }
0x23: {  	s9 =	sor.u32 $0xD0000000, s2;
	s6 =	simm.s32 $0x108;
	_ =	swait.ge @!p0 [sflag:s8], $0x0  }
0x24: {  	s3 =	sadd.s32 $0x88, s3;
	s6 =	simm.s32 @!p1 $0x1082;
	[sflag:s4] =	ssyncset.s32 $0xFFFFF086  }
0x25: {  	[simem:s6], [sflag:s4] =	dma.local [hbm:s3], $0xF7A  }
0x26: {  	[smem:$0x3F9C] =	sst s1;
	(tag) =	ssettag s2;
	_ =	strace s9  }
0x27: {  	s1 =	sld [smem:$0x3FAC]  }
0x28: {  	s2 =	sld [smem:$0x3FAD]  }
0x29: {  	s4 =	sld [smem:$0x3FAF]  }
0x2a: {  	p0 =	seq.s32 s5, $0x0;
	s5 =	sld [smem:$0x3FB0]  }
0x2b: {  	s6 =	sld [smem:$0x3FB1]  }
0x2c: {  	s7 =	sld [smem:$0x3FB2]  }
0x2d: {  	s3 =	simm.s32 $0x108;
	s8 =	sld [smem:$0x3FB3]  }
0x2e: {  	s3 =	simm.s32 @!p0 $0x1082;
	s9 =	sld [smem:$0x3FB4]  }
0x2f: {  	lr =	sadd.s32 s0, s3;
	s0 =	sld [smem:$0x3FAB]  }
0x30: {  	s3 =	sld [smem:$0x3FAE]  }
0x31: {  	[smem:$0x3FB7] =	sst s10  }
0x32: {  	s10 =	sld [smem:$0x3FB5];
	_ =	sdelay $0x3  }
0x33: {  	p0 =	seq.s32 s10, $0x1;
	s10 =	sld [smem:$0x3FB7];
	_ =	sdelay $0x3  }
0x34: {  	[smem:$0x3FB7] =	sst s10  }
0x35: {  	s10 =	sld [smem:$0x3FB6];
	_ =	sdelay $0x3  }
0x36: {  	p1 =	seq.s32 s10, $0x1;
	s10 =	sld [smem:$0x3FB7];
	_ =	sdelay $0x3  }
0x37: {  	[smem:$0x3FB7] =	sst s10  }
0x38: {  	s10 =	sld [smem:$0x3FB8]  }
0x39: {  	_ = 	snop;
	(pc) =	sbr.ind lr, $3  }
0x3a: {  	_ = 	snop  }
0x3b: {  	_ = 	snop  }
0x3c: {  	p2 =	seq.s32 s10, $0x1;
	s10 =	sld [smem:$0x3FB7]  }
0x3d: {  	_ =	shalt  }
0x3e: {  	_ =	shalt  }
0x3f: {  	_ =	shalt  }
0x40: {  	_ =	shalt  }
0x41: {  	_ =	shalt  }
0x42: {  	_ =	shalt  }
0x43: {  	_ =	shalt  }
0x44: {  	_ =	shalt  }
0x45: {  	_ =	shalt  }
0x46: {  	_ =	shalt  }
0x47: {  	_ =	shalt  }
0x48: {  	_ =	shalt  }
0x49: {  	_ =	shalt  }
0x4a: {  	_ =	shalt  }
0x4b: {  	_ =	shalt  }
0x4c: {  	_ =	shalt  }
0x4d: {  	_ =	shalt  }
0x4e: {  	_ =	shalt  }
0x4f: {  	_ =	shalt  }
0x50: {  	_ =	shalt  }
0x51: {  	_ =	shalt  }
0x52: {  	_ =	shalt  }
0x53: {  	_ =	shalt  }
0x54: {  	_ =	shalt  }
0x55: {  	_ =	shalt  }
0x56: {  	_ =	shalt  }
0x57: {  	_ =	shalt  }
0x58: {  	_ =	shalt  }
0x59: {  	_ =	shalt  }
0x5a: {  	_ =	shalt  }
0x5b: {  	_ =	shalt  }
0x5c: {  	_ =	shalt  }
0x5d: {  	_ =	shalt  }
0x5e: {  	_ =	shalt  }
0x5f: {  	_ =	shalt  }
0x60: {  	_ =	shalt  }
0x61: {  	_ =	shalt  }
0x62: {  	_ =	shalt  }
0x63: {  	_ =	shalt  }
0x64: {  	_ =	shalt  }
0x65: {  	_ =	shalt  }
0x66: {  	_ =	shalt  }
0x67: {  	_ =	shalt  }
0x68: {  	_ =	shalt  }
0x69: {  	_ =	shalt  }
0x6a: {  	_ =	shalt  }
0x6b: {  	_ =	shalt  }
0x6c: {  	_ =	shalt  }
0x6d: {  	_ =	shalt  }
0x6e: {  	_ =	shalt  }
0x6f: {  	_ =	shalt  }
0x70: {  	_ =	shalt  }
0x71: {  	_ =	shalt  }
0x72: {  	_ =	shalt  }
0x73: {  	_ =	shalt  }
0x74: {  	_ =	shalt  }
0x75: {  	_ =	shalt  }
0x76: {  	_ =	shalt  }
0x77: {  	_ =	shalt  }
0x78: {  	_ =	shalt  }
0x79: {  	_ =	shalt  }
0x7a: {  	_ =	shalt  }
0x7b: {  	_ =	shalt  }
0x7c: {  	_ =	shalt  }
0x7d: {  	_ =	shalt  }
0x7e: {  	_ =	shalt  }
0x7f: {  	_ =	shalt  }
0x80: {  	_ =	shalt  }
0x81: {  	_ =	shalt  }
0x82: {  	_ =	shalt  }
0x83: {  	_ =	shalt  }
0x84: {  	_ =	shalt  }
0x85: {  	_ =	shalt  }
0x86: {  	_ =	shalt  }
0x87: {  	_ =	shalt  }
.Lfunc_end0:
.L_simem_size_0:
called_computation_lowered:
.L_overlay_start_0:
0x88: {  	s2 =	sld [smem:$0x3FD9]  }
0x89: {  	s3 =	sld [smem:$0x3FFE];
	_ =	sdelay $0x1  }
0x8a: {  	s1 =	srdreg.scid  }
0x8b: {  	s0 =	sand.u32 $0x1, s1  }
0x8c: {  	s14 =	sshll.u32 s0, $0xA;
	s2 =	sadd.s32 s3, s2  }
0x8d: {  	s2 =	sadd.s32 s2, s14  }
0x8e: {  	[smem:$0x3FC3] =	sst s2  }
0x8f: {  	_ = 	snop  }
0x90: {  	s2 =	sld [smem:$0x3FD0];
	_ =	sdelay $0x2  }
0x91: {  	s4 =	simm.s32 $0xA;
	s5 =	simm.s32 $0x10;
	s15 =	sld [smem:$0x3FC6]  }
0x92: {  	[smem:s5], [sflag:s4] =	dma.local [hbm:s2], $0x1  }
0x93: {  	_ =	swait.eq [sflag:s4], $0x1  }
0x94: {  	[sflag:s4] =	ssyncset.done $0x0  }
0x95: {  	[sflag:s4] =	ssyncadd.s32 $0xFFFFFFFF  }
0x96: {  	s16 =	sld [smem:$0x11];
	(tm) =	ssettm $0x1  }
0x97: {  	s17 =	sld [smem:$0x3FFB];
	_ =	sdelay $0x3  }
0x98: {  	_ =	strace s17  }
0x99: {  	s4 =	sld [smem:$0x3FFC];
	_ =	sdelay $0x3  }
0x9a: {  	_ =	strace s4  }
0x9b: {  	s4 =	sld [smem:$0x3FFD];
	_ =	sdelay $0x3  }
0x9c: {  	_ =	strace s4  }
0x9d: {  	_ =	strace $0x8FFFFFFF  }
0x9e: {  	s18 =	sld [smem:$0x3FDB];
	_ =	sdelay $0x1  }
0x9f: {  	s19 =	simm.s32 $_scs_section_size  }
0xa0: {  	s6 =	simm.s32 $_size__tile_overlayer_lowered;
	s7 =	simm.s32 $_tile_overlayer_lowered  }
0xa1: {  	s22 =	simm.s32 $0x1BFF;
	s21 =	sshll.u32 s7, $0x1;
	s4 =	sadd.s32 s19, s18  }
0xa2: {  	s8 =	simm.s32 $0x0;
	s20 =	sshll.u32 s6, $0x1;
	s6 =	sadd.s32 s21, s4  }
0xa3: {  	[timem:s8], [sflag:s22] =	dma.local [hbm:s6], s20  }
0xa4: {  	_ =	swait.ge [sflag:s22], s20  }
0xa5: {  	s5 =	ssub.s32 $0x0, s20;
	[sflag:s22] =	ssyncset.done $0x0  }
0xa6: {  	[sflag:s22] =	ssyncadd.s32 s5;
	_ =	sdelay $0x1  }
0xa7: {  	s23 =	simm.s32 $0x1B8B  }
0xa8: {  	_ =	swait.ge [sflag:s23], $0x1  }
0xa9: {  	[sflag:s23] =	ssyncset.done $0x0  }
0xaa: {  	s25 =	simm.s32 $0x1B8E;
	s24 =	sld [smem:$0x3FFE];
	[sflag:s23] =	ssyncadd.s32 $0xFFFFFFFF  }
0xab: {  	s26 =	simm.s32 $execute0_lowered;
	[smem:$0x3FD2] =	sst s25  }
0xac: {  	s6 =	sshll.u32 s26, $0x1;
	_ =	strace $0x80000046;
	[dreg:$0x1] =	wrdreg $0xFFFFFFFF  }
0xad: {  	s28 =	simm.s32 $_size_execute0_lowered;
	s4 =	sadd.s32 s4, s6;
	[dreg:$0x0] =	wrdreg $0x0  }
0xae: {  	s6 =	sshll.u32 s28, $0x1;
	[dreg:$0x2] =	wrdreg s4  }
0xaf: {  	[dreg:$0x3] =	wrdreg s6  }
0xb0: {  	[dreg:$0x4] =	wrdreg $0xC0  }
0xb1: {  	_ =	task [dreg:s8], $0x5FFFF  }
0xb2: {  	[dreg:$0x1] =	wrdreg $0xFFFFFFFF  }
0xb3: {  	[dreg:$0x0] =	wrdreg $0x60  }
0xb4: {  	[dreg:$0x2] =	wrdreg s24  }
0xb5: {  	[dreg:$0x3] =	wrdreg s15  }
0xb6: {  	[dreg:$0x4] =	wrdreg s16  }
0xb7: {  	[dreg:$0x5] =	wrdreg $0x80000  }
0xb8: {  	[dreg:$0x6] =	wrdreg $0x9  }
0xb9: {  	_ =	task.clear_ibuf [dreg:s8], $0x7FFFF;
	_ =	strace $0x90000046  }
0xba: {  	s29 =	simm.s32 $0x9;
	_ =	strace $0x80000048  }
0xbb: {  	_ =	swait.ge [sflag:s29], $0x1  }
0xbc: {  	[sflag:s29] =	ssyncadd.s32 $0xFFFFFFFF  }
0xbd: {  	_ =	strace $0x90000048  }
0xbe: {  	_ =	sfence  }
0xbf: {  	s30 =	sld [smem:$0x0];
	_ =	sdelay $0x2  }
0xc0: {  	s31 =	sshll.u32 s1, $0xD;
	s1 =	sshrl.u32 s1, $0x2  }
0xc1: {  	s3 =	sand.u32 $0x4000, s31;
	s1 =	sadd.s32 s1, s30  }
0xc2: {  	s0 =	sor.u32 s3, s0;
	s1 =	sshll.u32 s1, $0x11  }
0xc3: {  	s0 =	sor.u32 s1, s0  }
0xc4: {  	s0 =	sadd.s32 $0x8F2B, s0  }
0xc5: {  	[sflag:s0] =	ssyncadd.remote.s32 $0x1  }
0xc6: {  	_ =	sfence.sel $0xFFFF  }
0xc7: {  	[dreg:$0x0] =	wrdreg $0xFFFFFFFF;
	(pc) =	sbr.abs _section_cstart, $3  }
0xc8: {  	[dreg:$0x1] =	wrdreg $0xFFFFFFFF  }
0xc9: {  	_ =	task.clear_ibuf [dreg:s8], $0x2FFFF;
	_ =	strace $0x9FFFFFFF  }
0xca: {  	(tm) =	ssettm $0x7FFFFFFF  }
0xcb: {  	_ =	shalt  }
tec
execute0_lowered:
.L_overlay_start_1:
0x0: {  	(tag) =	ssettag $0x1  }
0x1: {  	s0 =	rddreg [dreg:$0x0]  }
0x2: {  	s1 =	rddreg [dreg:$0x1]  }
0x3: {  	s2 =	rddreg [dreg:$0x2]  }
0x4: {  	s4 =	rddreg [dreg:$0x3]  }
0x5: {  	s3 =	simm.s32 $0x0;
	s5 =	srdreg.scid;
	s18 =	stileid.u32  }
0x6: {  	s12 =	simm.s32 $0x4000;
	[smem:$0x7FF] =	sst s3;
	s6 =	sadd.s32 $0x1000, s0  }
0x7: {  	s0 =	sadd.s32 $0x600, s0;
	_ =	strace $0x80000047;
	[smem:$0x7F8] =	sst s6  }
0x8: {  	s13 =	simm.s32 $0x6000;
	s20 =	sshll.u32 s18, $0x16;
	[smem:$0x7F9] =	sst s0  }
0x9: {  	s14 =	simm.s32 $0x1;
	s21 =	sadd.s32 $0x800, s1;
	[dreg:$0x6] =	wrdreg s20  }
0xa: {  	s31 =	simm.s32 $0x2000;
	s22 =	sadd.s32 $0xC00, s1;
	[dreg:$0x7] =	wrdreg s21  }
0xb: {  	s15 =	simm.s32 $0x2;
	s25 =	sshll.u32 s18, $0x12;
	[dreg:$0x8] =	wrdreg s22  }
0xc: {  	s16 =	simm.s32 $0x3;
	s28 =	sadd.s32 $0x400, s2;
	[dreg:$0x9] =	wrdreg s25  }
0xd: {  	s17 =	sand.u32 $0x1, s5;
	s29 =	sadd.s32 $0x800, s2;
	[dreg:$0xa] =	wrdreg s28  }
0xe: {  	s23 =	sshll.u32 s18, $0x6;
	s9 =	sadd.s32 $0xC00, s2;
	[dreg:$0xb] =	wrdreg s29  }
0xf: {  	s26 =	sshll.u32 s18, $0x7;
	p0 =	sne.s32 s18, $0x0;
	[dreg:$0xc] =	wrdreg s9  }
0x10: {  	s19 =	ssub.s32 $0x2, s17;
	s0 =	sshll.u32 s17, $0x3;
	[smem:$0x7FD] =	sst s31  }
0x11: {  	s24 =	sand.u32 $0x40, s23;
	s7 =	sshrl.u32 s19, $0x1;
	[dreg:$0x5] =	wrdreg s0  }
0x12: {  	s0 =	sadd.s32 s24, s4;
	s8 =	ssub.s32 s19, s7;
	s7 =	sand.u32 $0x700, s26  }
0x13: {  	s7 =	sadd.s32 s7, s0;
	s30 =	smax.u32 s8, $0x1;
	s0 =	simm.s32 @!p0 $0x0  }
0x14: {  	s2 =	smov.u32 s1;
	[smem:$0x7FA] =	sst s30;
	s0 =	simm.s32 @p0 $0x1  }
0x15: {  	s6 =	sadd.s32 $0x400, s1;
	[smem:$0x7FB] =	sst s0;
	s0 =	sshrl.u32 @!p0 s4, $0x3  }
0x16: {  	s17 =	simm.s32 $0x4;
	s4 =	simm.s32 $0x0;
	[smem:$0x7FC] =	sst s0  }
.LBB2_1:
0x17: {  	s0 =	sld [smem:$0x7F8];
	_ =	sdelay $0x1  }
0x18: {  	[smem:$0x7EB] =	sst s4;
	s1 =	simm.s32 $0x8800;
	s11 =	simm.s32 $0xA  }
0x19: {  	[tilespmem:s1], [sflag:$0xA] =	stream.linear.gather [hbm4b:s0+s3], $0x80, $0x38;
	[tilespmem:$0x8880] =	vst v63  }
0x1a: {  	_ =	swait.ge [sflag:s11], $0x80  }
0x1b: {  	[sflag:s11] =	ssyncset.done $0x0  }
0x1c: {  	[sflag:s11] =	ssyncadd.s32 $0xFFFFFF80  }
0x1d: {  	v0 =	vld [tilespmem:$0x8800];
	_ =	sdelay $0x4  }
0x1e: {  	(v2sf) =	vpush v0, $0x0;
	_ =	sdelay $0x9  }
0x1f: {  	s18 =	sld [smem:$0x7FB];
	_ =	sdelay $0x1  }
0x20: {  	s1 =	sld [smem:$0x7F9]  }
0x21: {  	s10 =	sld [smem:$0x7FC];
	p0 =	seq.s32 s18, $0x1  }
0x22: {  	s4 =	simm.s32 @!p0 $0x1;
	s5 =	simm.s32 @!p0 $0x20  }
0x23: {  	s8 =	simm.s32 @!p0 $0x10;
	s9 =	simm.s32 @!p0 $0x1C0A;
	s0 =	spop (v2sf)  }
0x24: {  	[spmem:s10@s5], [sflag:s9] =	dma.strided @!p0 [hbm:s1@s8], $0x800, s4, $0x10   }
0x25: {  	s4 =	simm.s32 @!p0 $0xA;
	s19 =	sand.u32 $0x7F, s0;
	s25 =	sadd.s32 $0xFFFFFC00, s0  }
0x26: {  	s20 =	sshll.u32 s0, $0x3;
	_ =	swait.ge @!p0 [sflag:s4], $0x800;
	s22 =	sshll.u32 s25, $0x3  }
0x27: {  	s9 =	sadd.s32 $0xFFFFF400, s0;
	[sflag:s4] =	ssyncset.done @!p0 $0x0;
	s23 =	sand.u32 $0x1C00, s22  }
0x28: {  	s21 =	sand.u32 $0x1C00, s20;
	[sflag:s4] =	ssyncadd.s32 @!p0 $0xFFFFF800;
	s10 =	sor.u32 s19, s23  }
0x29: {  	s18 =	sshll.u32 s9, $0x3;
	[bflag:$0x0] =	sbarrier.arrive $0xFFFF;
	s23 =	sor.u32 $0x2000, s10  }
0x2a: {  	s18 =	sand.u32 $0x1C00, s18;
	[dreg:$0xd] =	wrdreg s23;
	s23 =	sor.u32 s19, s21  }
0x2b: {  	s4 =	sadd.s32 $0xFFFFF800, s0;
	s18 =	sor.u32 s19, s18;
	s26 =	sor.u32 $0x80, s23  }
0x2c: {  	s11 =	sshll.u32 s4, $0x3;
	s1 =	sor.u32 $0x100, s23;
	[dreg:$0x10] =	wrdreg s26  }
0x2d: {  	s11 =	sand.u32 $0x1C00, s11;
	s8 =	sor.u32 $0x180, s23;
	[dreg:$0x11] =	wrdreg s1  }
0x2e: {  	s11 =	sor.u32 s19, s11;
	s19 =	sor.u32 $0x200, s23;
	[dreg:$0x12] =	wrdreg s8  }
0x2f: {  	s20 =	sor.u32 $0x280, s23;
	[dreg:$0x13] =	wrdreg s19  }
0x30: {  	s21 =	sor.u32 $0x300, s23;
	[dreg:$0x14] =	wrdreg s20  }
0x31: {  	s22 =	sor.u32 $0x380, s23;
	[dreg:$0x15] =	wrdreg s21  }
0x32: {  	s24 =	sor.u32 $0x4000, s11;
	[dreg:$0x16] =	wrdreg s22  }
0x33: {  	s26 =	sor.u32 $0x2100, s10;
	[dreg:$0xe] =	wrdreg s24  }
0x34: {  	s1 =	sor.u32 $0x2180, s10;
	[dreg:$0x18] =	wrdreg s26  }
0x35: {  	s8 =	sor.u32 $0x2200, s10;
	[dreg:$0x19] =	wrdreg s1  }
0x36: {  	s19 =	sor.u32 $0x2280, s10;
	[dreg:$0x1a] =	wrdreg s8  }
0x37: {  	s20 =	sor.u32 $0x2300, s10;
	[dreg:$0x1b] =	wrdreg s19  }
0x38: {  	s21 =	sor.u32 $0x2380, s10;
	[dreg:$0x1c] =	wrdreg s20  }
0x39: {  	s22 =	sor.u32 $0x4080, s11;
	[dreg:$0x1d] =	wrdreg s21  }
0x3a: {  	s24 =	sor.u32 $0x6000, s18;
	[dreg:$0x1e] =	wrdreg s22  }
0x3b: {  	s26 =	sor.u32 $0x4180, s11;
	[dreg:$0xf] =	wrdreg s24  }
0x3c: {  	s1 =	sor.u32 $0x4200, s11;
	[smem:$0x7EC] =	sst s26  }
0x3d: {  	s8 =	sor.u32 $0x4280, s11;
	[smem:$0x7ED] =	sst s1  }
0x3e: {  	s19 =	sor.u32 $0x6080, s18;
	[smem:$0x7EE] =	sst s8  }
0x3f: {  	s20 =	sor.u32 $0x6100, s18;
	[smem:$0x7F1] =	sst s19  }
0x40: {  	s21 =	sor.u32 $0x6180, s18;
	[smem:$0x7F2] =	sst s20  }
0x41: {  	s22 =	sor.u32 $0x6200, s18;
	[smem:$0x7F3] =	sst s21  }
0x42: {  	[smem:$0x7F4] =	sst s22  }
0x43: {  	s24 =	sor.u32 $0x2080, s10;
	s8 =	rddreg [dreg:$0x5]  }
0x44: {  	s10 =	sor.u32 $0x4300, s11;
	[dreg:$0x17] =	wrdreg s24  }
0x45: {  	s26 =	sor.u32 $0x6300, s18;
	[smem:$0x7EF] =	sst s10  }
0x46: {  	s1 =	sor.u32 $0x6380, s18;
	[smem:$0x7F6] =	sst s26  }
0x47: {  	s24 =	sor.u32 $0x4100, s11;
	[smem:$0x7F7] =	sst s1  }
0x48: {  	p5 =	por $0x1, $0x1;
	s11 =	sor.u32 $0x4380, s11;
	[dreg:$0x1f] =	wrdreg s24  }
0x49: {  	p0 =	por p5, p5;
	[smem:$0x7F0] =	sst s11;
	s24 =	sor.u32 $0x6280, s18  }
0x4a: {  	s10 =	simm.s32 @!p0 $0x5;
	[smem:$0x7F5] =	sst s24  }
0x4b: {  	s28 =	sadd.s32 $0x0, s8;
	_ =	swait.ge @!p0 [sflag:s10], $0x2000  }
0x4c: {  	s5 =	sand.u32 $0x38, s3;
	s18 =	sshll.u32 s28, $0x12;
	s11 =	rddreg [dreg:$0x6]  }
0x4d: {  	s19 =	sshll.u32 s5, $0xC;
	s11 =	sadd.s32 s11, s18  }
0x4e: {  	s11 =	sor.u32 s19, s11  }
0x4f: {  	[sflag:s10] =	ssyncset.done @!p0 $0x0;
	s11 =	sshrl.u32 s11, $0x3  }
0x50: {  	[sflag:s10] =	ssyncadd.s32 @!p0 $0xFFFFE000;
	s20 =	sadd.s32 s2, s11  }
0x51: {  	[tilespmem:s3], [sflag:$0x1] =	stream.linear.gather [hbm4b:s20+s3], $0x2000, $0x38;
	[tilespmem:$0x8880] =	vst v63  }
0x52: {  	s24 =	simm.s32 @p0 $0x0;
	s10 =	simm.s32 @p0 $0x2000;
	s18 =	sadd.s32 @p0 s11, s6  }
0x53: {  	[tilespmem:s10], [sflag:$0x2] =	stream.linear.gather @p0 [hbm4b:s18+s24], $0x2000, $0x38;
	[tilespmem:$0x8880] =	vst v63  }
0x54: {  	s10 =	simm.s32 @!p0 $0x6  }
0x55: {  	_ =	swait.ge @!p0 [sflag:s10], $0x2000  }
0x56: {  	s18 =	simm.s32 @!p0 $0x2000;
	[sflag:s10] =	ssyncset.done @!p0 $0x0  }
0x57: {  	s24 =	sadd.s32 @!p0 s11, s6;
	[sflag:s10] =	ssyncadd.s32 @!p0 $0xFFFFE000;
	s10 =	simm.s32 @!p0 $0x0  }
0x58: {  	[tilespmem:s18], [sflag:$0x2] =	stream.linear.gather @!p0 [hbm4b:s24+s10], $0x2000, $0x38;
	[tilespmem:$0x8880] =	vst v63  }
0x59: {  	s10 =	simm.s32 @!p0 $0x7  }
0x5a: {  	_ =	swait.ge @!p0 [sflag:s10], $0x2000  }
0x5b: {  	s21 =	rddreg [dreg:$0x7];
	[sflag:s10] =	ssyncset.done @!p0 $0x0  }
0x5c: {  	s18 =	simm.s32 @!p0 $0x8;
	[sflag:s10] =	ssyncadd.s32 @!p0 $0xFFFFE000;
	s22 =	sadd.s32 s11, s21  }
0x5d: {  	[tilespmem:s12], [sflag:$0x3] =	stream.linear.gather [hbm4b:s22+s3], $0x2000, $0x38;
	[tilespmem:$0x8880] =	vst v63  }
0x5e: {  	_ =	swait.ge @!p0 [sflag:s18], $0x2000  }
0x5f: {  	p1 =	sgt.u32 s0, $0x3FF;
	s24 =	rddreg [dreg:$0x8];
	[sflag:s18] =	ssyncset.done @!p0 $0x0  }
0x60: {  	s0 =	sshll.u32 @!p1 s28, $0xB;
	[sflag:s18] =	ssyncadd.s32 @!p0 $0xFFFFE000;
	s10 =	sadd.s32 s11, s24  }
0x61: {  	[tilespmem:s13], [sflag:$0x4] =	stream.linear.gather [hbm4b:s10+s3], $0x2000, $0x38;
	[tilespmem:$0x8880] =	vst v63  }
0x62: {  	s0 =	sand.u32 @!p1 $0x3FFFF800, s0;
	_ =	swait.ge [sflag:s14], $0x2000  }
0x63: {  	s0 =	sadd.s32 @!p1 s0, s7;
	[sflag:s14] =	ssyncset.done $0x0  }
0x64: {  	s0 =	sadd.s32 @!p1 s5, s0;
	[sflag:s14] =	ssyncadd.s32 $0xFFFFE000  }
0x65: {  	[tilespmem:s23], [sflag:$0x9] =	stream.linear.gather @!p1 [spmem:s0], $0x1, $0x38;
	[tilespmem:$0x8880] =	vst v63  }
0x66: {  	s18 =	sadd.s32 @!p1 $0x1, s0;
	s10 =	rddreg [dreg:$0x10]  }
0x67: {  	[tilespmem:s10], [sflag:$0x9] =	stream.linear.gather @!p1 [spmem:s18], $0x1, $0x38;
	[tilespmem:$0x8880] =	vst v63  }
0x68: {  	s11 =	rddreg [dreg:$0x11];
	s18 =	sadd.s32 @!p1 $0x2, s0  }
0x69: {  	[tilespmem:s11], [sflag:$0x9] =	stream.linear.gather @!p1 [spmem:s18], $0x1, $0x38;
	[tilespmem:$0x8880] =	vst v63  }
0x6a: {  	s10 =	rddreg [dreg:$0x12];
	s18 =	sadd.s32 @!p1 $0x3, s0  }
0x6b: {  	[tilespmem:s10], [sflag:$0x9] =	stream.linear.gather @!p1 [spmem:s18], $0x1, $0x38;
	[tilespmem:$0x8880] =	vst v63  }
0x6c: {  	s11 =	rddreg [dreg:$0x13];
	s18 =	sadd.s32 @!p1 $0x4, s0  }
0x6d: {  	[tilespmem:s11], [sflag:$0x9] =	stream.linear.gather @!p1 [spmem:s18], $0x1, $0x38;
	[tilespmem:$0x8880] =	vst v63  }
0x6e: {  	s10 =	rddreg [dreg:$0x14];
	s18 =	sadd.s32 @!p1 $0x5, s0  }
0x6f: {  	[tilespmem:s10], [sflag:$0x9] =	stream.linear.gather @!p1 [spmem:s18], $0x1, $0x38;
	[tilespmem:$0x8880] =	vst v63  }
0x70: {  	s11 =	rddreg [dreg:$0x15];
	s18 =	sadd.s32 @!p1 $0x6, s0  }
0x71: {  	[tilespmem:s11], [sflag:$0x9] =	stream.linear.gather @!p1 [spmem:s18], $0x1, $0x38;
	[tilespmem:$0x8880] =	vst v63  }
0x72: {  	s24 =	simm.s32 @!p1 $0x9;
	s10 =	rddreg [dreg:$0x16];
	s0 =	sadd.s32 @!p1 $0x7, s0  }
0x73: {  	[tilespmem:s10], [sflag:$0x9] =	stream.linear.gather @!p1 [spmem:s0], $0x1, $0x38;
	[tilespmem:$0x8880] =	vst v63  }
0x74: {  	_ =	swait.ge @!p1 [sflag:s24], $0x8  }
0x75: {  	s1 =	sshll.u32 s28, $0x16;
	s26 =	rddreg [dreg:$0x9]  }
0x76: {  	[sflag:s24] =	ssyncset.done @!p1 $0x0;
	s0 =	sor.u32 s26, s1  }
0x77: {  	[sflag:s24] =	ssyncadd.s32 @!p1 $0xFFFFFFF8;
	s0 =	sor.u32 s19, s0  }
0x78: {  	p2 =	sgt.u32 s25, $0x3FF;
	s11 =	rddreg [dreg:$0x2];
	s0 =	sshrl.u32 s0, $0x3  }
0x79: {  	s8 =	sshll.u32 @!p2 s28, $0xB;
	s18 =	sadd.s32 s11, s0  }
0x7a: {  	[hbm4b:s18+s3] =	stream.linear.scatter [tilespmem:s3], [sflag:$0x5], $0x2000, $0x38;
	[tilespmem:$0x8880] =	vst v63  }
0x7b: {  	s8 =	sand.u32 @!p2 $0x3FFFF800, s8;
	_ =	swait.ge [sflag:s15], $0x2000  }
0x7c: {  	s8 =	sadd.s32 @!p2 s8, s7;
	[sflag:s15] =	ssyncset.done $0x0  }
0x7d: {  	s8 =	sadd.s32 @!p2 s5, s8;
	s10 =	rddreg [dreg:$0xd];
	[sflag:s15] =	ssyncadd.s32 $0xFFFFE000  }
0x7e: {  	[tilespmem:s10], [sflag:$0x9] =	stream.linear.gather @!p2 [spmem:s8], $0x1, $0x38;
	[tilespmem:$0x8880] =	vst v63  }
0x7f: {  	s18 =	sadd.s32 @!p2 $0x1, s8;
	s11 =	rddreg [dreg:$0x17]  }
0x80: {  	[tilespmem:s11], [sflag:$0x9] =	stream.linear.gather @!p2 [spmem:s18], $0x1, $0x38;
	[tilespmem:$0x8880] =	vst v63  }
0x81: {  	s10 =	rddreg [dreg:$0x18];
	s18 =	sadd.s32 @!p2 $0x2, s8  }
0x82: {  	[tilespmem:s10], [sflag:$0x9] =	stream.linear.gather @!p2 [spmem:s18], $0x1, $0x38;
	[tilespmem:$0x8880] =	vst v63  }
0x83: {  	s11 =	rddreg [dreg:$0x19];
	s18 =	sadd.s32 @!p2 $0x3, s8  }
0x84: {  	[tilespmem:s11], [sflag:$0x9] =	stream.linear.gather @!p2 [spmem:s18], $0x1, $0x38;
	[tilespmem:$0x8880] =	vst v63  }
0x85: {  	s10 =	rddreg [dreg:$0x1a];
	s18 =	sadd.s32 @!p2 $0x4, s8  }
0x86: {  	[tilespmem:s10], [sflag:$0x9] =	stream.linear.gather @!p2 [spmem:s18], $0x1, $0x38;
	[tilespmem:$0x8880] =	vst v63  }
0x87: {  	s11 =	rddreg [dreg:$0x1b];
	s18 =	sadd.s32 @!p2 $0x5, s8  }
0x88: {  	[tilespmem:s11], [sflag:$0x9] =	stream.linear.gather @!p2 [spmem:s18], $0x1, $0x38;
	[tilespmem:$0x8880] =	vst v63  }
0x89: {  	s10 =	rddreg [dreg:$0x1c];
	s18 =	sadd.s32 @!p2 $0x6, s8  }
0x8a: {  	[tilespmem:s10], [sflag:$0x9] =	stream.linear.gather @!p2 [spmem:s18], $0x1, $0x38;
	[tilespmem:$0x8880] =	vst v63  }
0x8b: {  	s25 =	simm.s32 @!p2 $0x9;
	s11 =	rddreg [dreg:$0x1d];
	s8 =	sadd.s32 @!p2 $0x7, s8  }
0x8c: {  	[tilespmem:s11], [sflag:$0x9] =	stream.linear.gather @!p2 [spmem:s8], $0x1, $0x38;
	[tilespmem:$0x8880] =	vst v63  }
0x8d: {  	_ =	swait.ge @!p2 [sflag:s25], $0x8  }
0x8e: {  	s20 =	sld [smem:$0x7FD]  }
0x8f: {  	p3 =	sgt.u32 s4, $0x3FF;
	s19 =	rddreg [dreg:$0xa];
	[sflag:s25] =	ssyncset.done @!p2 $0x0  }
0x90: {  	s4 =	sshll.u32 @!p3 s28, $0xB;
	[sflag:s25] =	ssyncadd.s32 @!p2 $0xFFFFFFF8;
	s21 =	sadd.s32 s0, s19  }
0x91: {  	[hbm4b:s21+s3] =	stream.linear.scatter [tilespmem:s20], [sflag:$0x6], $0x2000, $0x38;
	[tilespmem:$0x8880] =	vst v63  }
0x92: {  	s4 =	sand.u32 @!p3 $0x3FFFF800, s4;
	_ =	swait.ge [sflag:s16], $0x2000  }
0x93: {  	s4 =	sadd.s32 @!p3 s4, s7;
	s8 =	rddreg [dreg:$0xe];
	[sflag:s16] =	ssyncset.done $0x0  }
0x94: {  	s4 =	sadd.s32 @!p3 s5, s4;
	s10 =	rddreg [dreg:$0x1e];
	[sflag:s16] =	ssyncadd.s32 $0xFFFFE000  }
0x95: {  	[tilespmem:s8], [sflag:$0x9] =	stream.linear.gather @!p3 [spmem:s4], $0x1, $0x38;
	[tilespmem:$0x8880] =	vst v63  }
0x96: {  	s11 =	sadd.s32 @!p3 $0x1, s4;
	s8 =	rddreg [dreg:$0x1f]  }
0x97: {  	[tilespmem:s10], [sflag:$0x9] =	stream.linear.gather @!p3 [spmem:s11], $0x1, $0x38;
	[tilespmem:$0x8880] =	vst v63  }
0x98: {  	s10 =	sld [smem:$0x7EC];
	s11 =	sadd.s32 @!p3 $0x2, s4  }
0x99: {  	[tilespmem:s8], [sflag:$0x9] =	stream.linear.gather @!p3 [spmem:s11], $0x1, $0x38;
	[tilespmem:$0x8880] =	vst v63  }
0x9a: {  	s8 =	sld [smem:$0x7ED];
	s11 =	sadd.s32 @!p3 $0x3, s4  }
0x9b: {  	[tilespmem:s10], [sflag:$0x9] =	stream.linear.gather @!p3 [spmem:s11], $0x1, $0x38;
	[tilespmem:$0x8880] =	vst v63  }
0x9c: {  	s10 =	sld [smem:$0x7EE];
	s11 =	sadd.s32 @!p3 $0x4, s4  }
0x9d: {  	[tilespmem:s8], [sflag:$0x9] =	stream.linear.gather @!p3 [spmem:s11], $0x1, $0x38;
	[tilespmem:$0x8880] =	vst v63  }
0x9e: {  	s8 =	sld [smem:$0x7EF];
	s11 =	sadd.s32 @!p3 $0x5, s4  }
0x9f: {  	[tilespmem:s10], [sflag:$0x9] =	stream.linear.gather @!p3 [spmem:s11], $0x1, $0x38;
	[tilespmem:$0x8880] =	vst v63  }
0xa0: {  	s10 =	sld [smem:$0x7F0];
	s11 =	sadd.s32 @!p3 $0x6, s4  }
0xa1: {  	[tilespmem:s8], [sflag:$0x9] =	stream.linear.gather @!p3 [spmem:s11], $0x1, $0x38;
	[tilespmem:$0x8880] =	vst v63  }
0xa2: {  	s26 =	simm.s32 @!p3 $0x9;
	s4 =	sadd.s32 @!p3 $0x7, s4  }
0xa3: {  	[tilespmem:s10], [sflag:$0x9] =	stream.linear.gather @!p3 [spmem:s4], $0x1, $0x38;
	[tilespmem:$0x8880] =	vst v63  }
0xa4: {  	_ =	swait.ge @!p3 [sflag:s26], $0x8  }
0xa5: {  	s22 =	rddreg [dreg:$0xb];
	[sflag:s26] =	ssyncset.done @!p3 $0x0  }
0xa6: {  	p4 =	sgt.u32 s9, $0x3FF;
	[sflag:s26] =	ssyncadd.s32 @!p3 $0xFFFFFFF8;
	s4 =	sadd.s32 s0, s22  }
0xa7: {  	[hbm4b:s4+s3] =	stream.linear.scatter [tilespmem:s12], [sflag:$0x7], $0x2000, $0x38;
	[tilespmem:$0x8880] =	vst v63  }
0xa8: {  	s4 =	sshll.u32 @!p4 s28, $0xB  }
0xa9: {  	_ =	swait.ge [sflag:s17], $0x2000;
	s4 =	sand.u32 @!p4 $0x3FFFF800, s4  }
0xaa: {  	s8 =	rddreg [dreg:$0xf];
	s4 =	sadd.s32 @!p4 s4, s7;
	[sflag:s17] =	ssyncset.done $0x0  }
0xab: {  	[sflag:s17] =	ssyncadd.s32 $0xFFFFE000;
	s4 =	sadd.s32 @!p4 s5, s4;
	s5 =	sld [smem:$0x7F1]  }
0xac: {  	[tilespmem:s8], [sflag:$0x9] =	stream.linear.gather @!p4 [spmem:s4], $0x1, $0x38;
	[tilespmem:$0x8880] =	vst v63  }
0xad: {  	s8 =	sld [smem:$0x7F2];
	s9 =	sadd.s32 @!p4 $0x1, s4  }
0xae: {  	[tilespmem:s5], [sflag:$0x9] =	stream.linear.gather @!p4 [spmem:s9], $0x1, $0x38;
	[tilespmem:$0x8880] =	vst v63  }
0xaf: {  	s5 =	sld [smem:$0x7F3];
	s9 =	sadd.s32 @!p4 $0x2, s4  }
0xb0: {  	[tilespmem:s8], [sflag:$0x9] =	stream.linear.gather @!p4 [spmem:s9], $0x1, $0x38;
	[tilespmem:$0x8880] =	vst v63  }
0xb1: {  	s8 =	sld [smem:$0x7F4];
	s9 =	sadd.s32 @!p4 $0x3, s4  }
0xb2: {  	[tilespmem:s5], [sflag:$0x9] =	stream.linear.gather @!p4 [spmem:s9], $0x1, $0x38;
	[tilespmem:$0x8880] =	vst v63  }
0xb3: {  	s5 =	sld [smem:$0x7F5];
	s9 =	sadd.s32 @!p4 $0x4, s4  }
0xb4: {  	[tilespmem:s8], [sflag:$0x9] =	stream.linear.gather @!p4 [spmem:s9], $0x1, $0x38;
	[tilespmem:$0x8880] =	vst v63  }
0xb5: {  	s8 =	sld [smem:$0x7F6];
	s9 =	sadd.s32 @!p4 $0x5, s4  }
0xb6: {  	[tilespmem:s5], [sflag:$0x9] =	stream.linear.gather @!p4 [spmem:s9], $0x1, $0x38;
	[tilespmem:$0x8880] =	vst v63  }
0xb7: {  	s5 =	sld [smem:$0x7F7];
	s9 =	sadd.s32 @!p4 $0x6, s4  }
0xb8: {  	[tilespmem:s8], [sflag:$0x9] =	stream.linear.gather @!p4 [spmem:s9], $0x1, $0x38;
	[tilespmem:$0x8880] =	vst v63  }
0xb9: {  	s31 =	simm.s32 $0x8;
	s28 =	simm.s32 @!p4 $0x9;
	s4 =	sadd.s32 @!p4 $0x7, s4  }
0xba: {  	[tilespmem:s5], [sflag:$0x9] =	stream.linear.gather @!p4 [spmem:s4], $0x1, $0x38;
	[tilespmem:$0x8880] =	vst v63  }
0xbb: {  	p6 =	por $0x0, $0x0;
	s29 =	simm.s32 $0x10;
	_ =	swait.ge @!p4 [sflag:s28], $0x8  }
0xbc: {  	s30 =	simm.s32 $0x1;
	p5 =	por p6, p6;
	[sflag:s28] =	ssyncset.done @!p4 $0x0  }
0xbd: {  	s18 =	simm.s32 @!p5 $0x5;
	s4 =	rddreg [dreg:$0xc];
	[sflag:s28] =	ssyncadd.s32 @!p4 $0xFFFFFFF8  }
.LBB2_2:
0xbe: {  	s5 =	rddreg [dreg:$0x5];
	s0 =	sadd.s32 s0, s4  }
0xbf: {  	s4 =	smov.u32 s29;
	s22 =	sshrl.u32 s30, $0x3;
	s9 =	sand.u32 $0x38, s31  }
0xc0: {  	[hbm4b:s0+s3] =	stream.linear.scatter [tilespmem:s13], [sflag:$0x8], $0x2000, $0x38;
	[tilespmem:$0x8880] =	vst v63  }
0xc1: {  	s19 =	simm.s32 @p5 $0x2000;
	s0 =	sadd.s32 s5, s22;
	_ =	swait.ge @!p5 [sflag:s18], $0x2000  }
0xc2: {  	s5 =	sshll.u32 s0, $0x12;
	s11 =	sshll.u32 @!p2 s0, $0xB;
	s8 =	rddreg [dreg:$0x6]  }
0xc3: {  	s5 =	sadd.s32 s8, s5;
	s8 =	sand.u32 @!p2 $0x3FFFF800, s11;
	s11 =	sshll.u32 s9, $0xC  }
0xc4: {  	s22 =	simm.s32 @p5 $0x0;
	[sflag:s18] =	ssyncset.done @!p5 $0x0;
	s5 =	sor.u32 s11, s5  }
0xc5: {  	s20 =	sshll.u32 @!p3 s0, $0xB;
	[sflag:s18] =	ssyncadd.s32 @!p5 $0xFFFFE000;
	s18 =	sshrl.u32 s5, $0x3  }
0xc6: {  	s31 =	sshll.u32 @!p4 s0, $0xB;
	s5 =	sand.u32 @!p3 $0x3FFFF800, s20;
	s1 =	sadd.s32 s2, s18  }
0xc7: {  	[tilespmem:s3], [sflag:$0x1] =	stream.linear.gather [hbm4b:s1+s3], $0x2000, $0x38;
	[tilespmem:$0x8880] =	vst v63  }
0xc8: {  	s20 =	simm.s32 @!p5 $0x6;
	s21 =	sadd.s32 @p5 s18, s6;
	s1 =	sand.u32 @!p4 $0x3FFFF800, s31  }
0xc9: {  	[tilespmem:s19], [sflag:$0x2] =	stream.linear.gather @p5 [hbm4b:s21+s22], $0x2000, $0x38;
	[tilespmem:$0x8880] =	vst v63  }
0xca: {  	s31 =	smov.u32 s4;
	s4 =	sadd.s32 @!p4 s1, s7;
	_ =	swait.ge @!p5 [sflag:s20], $0x2000  }
0xcb: {  	s1 =	sadd.s32 @!p5 s18, s6;
	s19 =	simm.s32 @!p5 $0x2000;
	[sflag:s20] =	ssyncset.done @!p5 $0x0  }
0xcc: {  	s21 =	simm.s32 @!p5 $0x0;
	[sflag:s20] =	ssyncadd.s32 @!p5 $0xFFFFE000;
	s20 =	simm.s32 @!p5 $0x7  }
0xcd: {  	[tilespmem:s19], [sflag:$0x2] =	stream.linear.gather @!p5 [hbm4b:s1+s21], $0x2000, $0x38;
	[tilespmem:$0x8880] =	vst v63  }
0xce: {  	_ =	swait.ge @!p5 [sflag:s20], $0x2000  }
0xcf: {  	s21 =	rddreg [dreg:$0x7];
	[sflag:s20] =	ssyncset.done @!p5 $0x0  }
0xd0: {  	s19 =	simm.s32 @!p5 $0x8;
	[sflag:s20] =	ssyncadd.s32 @!p5 $0xFFFFE000;
	s1 =	sadd.s32 s18, s21  }
0xd1: {  	[tilespmem:s12], [sflag:$0x3] =	stream.linear.gather [hbm4b:s1+s3], $0x2000, $0x38;
	[tilespmem:$0x8880] =	vst v63  }
0xd2: {  	_ =	swait.ge @!p5 [sflag:s19], $0x2000  }
0xd3: {  	s22 =	rddreg [dreg:$0x8];
	[sflag:s19] =	ssyncset.done @!p5 $0x0  }
0xd4: {  	s10 =	sshll.u32 @!p1 s0, $0xB;
	[sflag:s19] =	ssyncadd.s32 @!p5 $0xFFFFE000;
	s1 =	sadd.s32 s18, s22  }
0xd5: {  	[tilespmem:s13], [sflag:$0x4] =	stream.linear.gather [hbm4b:s1+s3], $0x2000, $0x38;
	[tilespmem:$0x8880] =	vst v63  }
0xd6: {  	s10 =	sand.u32 @!p1 $0x3FFFF800, s10;
	_ =	swait.ge [sflag:s14], $0x2000  }
0xd7: {  	s10 =	sadd.s32 @!p1 s10, s7;
	[sflag:s14] =	ssyncset.done $0x0  }
0xd8: {  	s1 =	sadd.s32 @!p1 s9, s10;
	[sflag:s14] =	ssyncadd.s32 $0xFFFFE000  }
0xd9: {  	[tilespmem:s23], [sflag:$0x9] =	stream.linear.gather @!p1 [spmem:s1], $0x1, $0x38;
	[tilespmem:$0x8880] =	vst v63  }
0xda: {  	s19 =	sadd.s32 @!p1 $0x1, s1;
	s10 =	rddreg [dreg:$0x10]  }
0xdb: {  	[tilespmem:s10], [sflag:$0x9] =	stream.linear.gather @!p1 [spmem:s19], $0x1, $0x38;
	[tilespmem:$0x8880] =	vst v63  }
0xdc: {  	s18 =	rddreg [dreg:$0x11];
	s10 =	sadd.s32 @!p1 $0x2, s1  }
0xdd: {  	[tilespmem:s18], [sflag:$0x9] =	stream.linear.gather @!p1 [spmem:s10], $0x1, $0x38;
	[tilespmem:$0x8880] =	vst v63  }
0xde: {  	s20 =	rddreg [dreg:$0x12];
	s10 =	sadd.s32 @!p1 $0x3, s1  }
0xdf: {  	[tilespmem:s20], [sflag:$0x9] =	stream.linear.gather @!p1 [spmem:s10], $0x1, $0x38;
	[tilespmem:$0x8880] =	vst v63  }
0xe0: {  	s19 =	rddreg [dreg:$0x13];
	s10 =	sadd.s32 @!p1 $0x4, s1  }
0xe1: {  	[tilespmem:s19], [sflag:$0x9] =	stream.linear.gather @!p1 [spmem:s10], $0x1, $0x38;
	[tilespmem:$0x8880] =	vst v63  }
0xe2: {  	s18 =	rddreg [dreg:$0x14];
	s10 =	sadd.s32 @!p1 $0x5, s1  }
0xe3: {  	[tilespmem:s18], [sflag:$0x9] =	stream.linear.gather @!p1 [spmem:s10], $0x1, $0x38;
	[tilespmem:$0x8880] =	vst v63  }
0xe4: {  	s20 =	rddreg [dreg:$0x15];
	s10 =	sadd.s32 @!p1 $0x6, s1  }
0xe5: {  	[tilespmem:s20], [sflag:$0x9] =	stream.linear.gather @!p1 [spmem:s10], $0x1, $0x38;
	[tilespmem:$0x8880] =	vst v63  }
0xe6: {  	s19 =	rddreg [dreg:$0x16];
	s1 =	sadd.s32 @!p1 $0x7, s1  }
0xe7: {  	[tilespmem:s19], [sflag:$0x9] =	stream.linear.gather @!p1 [spmem:s1], $0x1, $0x38;
	[tilespmem:$0x8880] =	vst v63  }
0xe8: {  	_ =	swait.ge @!p1 [sflag:s24], $0x8  }
0xe9: {  	s0 =	sshll.u32 s0, $0x16;
	s18 =	rddreg [dreg:$0x9]  }
0xea: {  	[sflag:s24] =	ssyncset.done @!p1 $0x0;
	s0 =	sor.u32 s18, s0  }
0xeb: {  	[sflag:s24] =	ssyncadd.s32 @!p1 $0xFFFFFFF8;
	s0 =	sor.u32 s11, s0  }
0xec: {  	s19 =	rddreg [dreg:$0x2];
	s0 =	sshrl.u32 s0, $0x3  }
0xed: {  	s1 =	sadd.s32 s19, s0  }
0xee: {  	[hbm4b:s1+s3] =	stream.linear.scatter [tilespmem:s3], [sflag:$0x5], $0x2000, $0x38;
	[tilespmem:$0x8880] =	vst v63  }
0xef: {  	_ =	swait.ge [sflag:s15], $0x2000  }
0xf0: {  	s1 =	sadd.s32 @!p2 s8, s7;
	[sflag:s15] =	ssyncset.done $0x0  }
0xf1: {  	s1 =	sadd.s32 @!p2 s9, s1;
	s8 =	rddreg [dreg:$0xd];
	[sflag:s15] =	ssyncadd.s32 $0xFFFFE000  }
0xf2: {  	[tilespmem:s8], [sflag:$0x9] =	stream.linear.gather @!p2 [spmem:s1], $0x1, $0x38;
	[tilespmem:$0x8880] =	vst v63  }
0xf3: {  	s10 =	rddreg [dreg:$0x17];
	s8 =	sadd.s32 @!p2 $0x1, s1  }
0xf4: {  	[tilespmem:s10], [sflag:$0x9] =	stream.linear.gather @!p2 [spmem:s8], $0x1, $0x38;
	[tilespmem:$0x8880] =	vst v63  }
0xf5: {  	s11 =	rddreg [dreg:$0x18];
	s8 =	sadd.s32 @!p2 $0x2, s1  }
0xf6: {  	[tilespmem:s11], [sflag:$0x9] =	stream.linear.gather @!p2 [spmem:s8], $0x1, $0x38;
	[tilespmem:$0x8880] =	vst v63  }
0xf7: {  	s18 =	rddreg [dreg:$0x19];
	s8 =	sadd.s32 @!p2 $0x3, s1  }
0xf8: {  	[tilespmem:s18], [sflag:$0x9] =	stream.linear.gather @!p2 [spmem:s8], $0x1, $0x38;
	[tilespmem:$0x8880] =	vst v63  }
0xf9: {  	s10 =	rddreg [dreg:$0x1a];
	s8 =	sadd.s32 @!p2 $0x4, s1  }
0xfa: {  	[tilespmem:s10], [sflag:$0x9] =	stream.linear.gather @!p2 [spmem:s8], $0x1, $0x38;
	[tilespmem:$0x8880] =	vst v63  }
0xfb: {  	s11 =	rddreg [dreg:$0x1b];
	s8 =	sadd.s32 @!p2 $0x5, s1  }
0xfc: {  	[tilespmem:s11], [sflag:$0x9] =	stream.linear.gather @!p2 [spmem:s8], $0x1, $0x38;
	[tilespmem:$0x8880] =	vst v63  }
0xfd: {  	s18 =	rddreg [dreg:$0x1c];
	s8 =	sadd.s32 @!p2 $0x6, s1  }
0xfe: {  	[tilespmem:s18], [sflag:$0x9] =	stream.linear.gather @!p2 [spmem:s8], $0x1, $0x38;
	[tilespmem:$0x8880] =	vst v63  }
0xff: {  	s10 =	rddreg [dreg:$0x1d];
	s1 =	sadd.s32 @!p2 $0x7, s1  }
0x100: {  	[tilespmem:s10], [sflag:$0x9] =	stream.linear.gather @!p2 [spmem:s1], $0x1, $0x38;
	[tilespmem:$0x8880] =	vst v63  }
0x101: {  	_ =	swait.ge @!p2 [sflag:s25], $0x8  }
0x102: {  	s21 =	sld [smem:$0x7FD]  }
0x103: {  	s20 =	rddreg [dreg:$0xa];
	[sflag:s25] =	ssyncset.done @!p2 $0x0  }
0x104: {  	[sflag:s25] =	ssyncadd.s32 @!p2 $0xFFFFFFF8;
	s1 =	sadd.s32 s0, s20  }
0x105: {  	[hbm4b:s1+s3] =	stream.linear.scatter [tilespmem:s21], [sflag:$0x6], $0x2000, $0x38;
	[tilespmem:$0x8880] =	vst v63  }
0x106: {  	_ =	swait.ge [sflag:s16], $0x2000  }
0x107: {  	s1 =	sadd.s32 @!p3 s5, s7;
	[sflag:s16] =	ssyncset.done $0x0;
	s5 =	rddreg [dreg:$0xe]  }
0x108: {  	s1 =	sadd.s32 @!p3 s9, s1;
	s8 =	rddreg [dreg:$0x1e];
	[sflag:s16] =	ssyncadd.s32 $0xFFFFE000  }
0x109: {  	[tilespmem:s5], [sflag:$0x9] =	stream.linear.gather @!p3 [spmem:s1], $0x1, $0x38;
	[tilespmem:$0x8880] =	vst v63  }
0x10a: {  	s10 =	rddreg [dreg:$0x1f];
	s5 =	sadd.s32 @!p3 $0x1, s1  }
0x10b: {  	[tilespmem:s8], [sflag:$0x9] =	stream.linear.gather @!p3 [spmem:s5], $0x1, $0x38;
	[tilespmem:$0x8880] =	vst v63  }
0x10c: {  	s11 =	sld [smem:$0x7EC];
	s5 =	sadd.s32 @!p3 $0x2, s1  }
0x10d: {  	[tilespmem:s10], [sflag:$0x9] =	stream.linear.gather @!p3 [spmem:s5], $0x1, $0x38;
	[tilespmem:$0x8880] =	vst v63  }
0x10e: {  	s8 =	sld [smem:$0x7ED];
	s5 =	sadd.s32 @!p3 $0x3, s1  }
0x10f: {  	[tilespmem:s11], [sflag:$0x9] =	stream.linear.gather @!p3 [spmem:s5], $0x1, $0x38;
	[tilespmem:$0x8880] =	vst v63  }
0x110: {  	s10 =	sld [smem:$0x7EE];
	s5 =	sadd.s32 @!p3 $0x4, s1  }
0x111: {  	[tilespmem:s8], [sflag:$0x9] =	stream.linear.gather @!p3 [spmem:s5], $0x1, $0x38;
	[tilespmem:$0x8880] =	vst v63  }
0x112: {  	s11 =	sld [smem:$0x7EF];
	s5 =	sadd.s32 @!p3 $0x5, s1  }
0x113: {  	[tilespmem:s10], [sflag:$0x9] =	stream.linear.gather @!p3 [spmem:s5], $0x1, $0x38;
	[tilespmem:$0x8880] =	vst v63  }
0x114: {  	s8 =	sld [smem:$0x7F0];
	s5 =	sadd.s32 @!p3 $0x6, s1  }
0x115: {  	[tilespmem:s11], [sflag:$0x9] =	stream.linear.gather @!p3 [spmem:s5], $0x1, $0x38;
	[tilespmem:$0x8880] =	vst v63  }
0x116: {  	s1 =	sadd.s32 @!p3 $0x7, s1  }
0x117: {  	[tilespmem:s8], [sflag:$0x9] =	stream.linear.gather @!p3 [spmem:s1], $0x1, $0x38;
	[tilespmem:$0x8880] =	vst v63  }
0x118: {  	_ =	swait.ge @!p3 [sflag:s26], $0x8  }
0x119: {  	s22 =	rddreg [dreg:$0xb];
	[sflag:s26] =	ssyncset.done @!p3 $0x0  }
0x11a: {  	[sflag:s26] =	ssyncadd.s32 @!p3 $0xFFFFFFF8;
	s1 =	sadd.s32 s0, s22  }
0x11b: {  	[hbm4b:s1+s3] =	stream.linear.scatter [tilespmem:s12], [sflag:$0x7], $0x2000, $0x38;
	[tilespmem:$0x8880] =	vst v63  }
0x11c: {  	_ =	swait.ge [sflag:s17], $0x2000  }
0x11d: {  	[sflag:s17] =	ssyncset.done $0x0;
	s1 =	rddreg [dreg:$0xf]  }
0x11e: {  	s4 =	sadd.s32 @!p4 s9, s4;
	s5 =	sld [smem:$0x7F1];
	[sflag:s17] =	ssyncadd.s32 $0xFFFFE000  }
0x11f: {  	[tilespmem:s1], [sflag:$0x9] =	stream.linear.gather @!p4 [spmem:s4], $0x1, $0x38;
	[tilespmem:$0x8880] =	vst v63  }
0x120: {  	s8 =	sld [smem:$0x7F2];
	s1 =	sadd.s32 @!p4 $0x1, s4  }
0x121: {  	[tilespmem:s5], [sflag:$0x9] =	stream.linear.gather @!p4 [spmem:s1], $0x1, $0x38;
	[tilespmem:$0x8880] =	vst v63  }
0x122: {  	s9 =	sld [smem:$0x7F3];
	s1 =	sadd.s32 @!p4 $0x2, s4  }
0x123: {  	[tilespmem:s8], [sflag:$0x9] =	stream.linear.gather @!p4 [spmem:s1], $0x1, $0x38;
	[tilespmem:$0x8880] =	vst v63  }
0x124: {  	s5 =	sld [smem:$0x7F4];
	s1 =	sadd.s32 @!p4 $0x3, s4  }
0x125: {  	[tilespmem:s9], [sflag:$0x9] =	stream.linear.gather @!p4 [spmem:s1], $0x1, $0x38;
	[tilespmem:$0x8880] =	vst v63  }
0x126: {  	p0 =	seq.s32 s29, $0x0;
	s8 =	sld [smem:$0x7F5];
	s1 =	sadd.s32 @!p4 $0x4, s4  }
0x127: {  	[tilespmem:s5], [sflag:$0x9] =	stream.linear.gather @!p4 [spmem:s1], $0x1, $0x38;
	[tilespmem:$0x8880] =	vst v63  }
0x128: {  	s29 =	sadd.s32 $0x8, s29;
	s9 =	sld [smem:$0x7F6];
	s1 =	sadd.s32 @!p4 $0x5, s4  }
0x129: {  	[tilespmem:s8], [sflag:$0x9] =	stream.linear.gather @!p4 [spmem:s1], $0x1, $0x38;
	[tilespmem:$0x8880] =	vst v63  }
0x12a: {  	p6 =	sne.s32 s29, $0x200;
	s5 =	sld [smem:$0x7F7];
	s1 =	sadd.s32 @!p4 $0x6, s4  }
0x12b: {  	[tilespmem:s9], [sflag:$0x9] =	stream.linear.gather @!p4 [spmem:s1], $0x1, $0x38;
	[tilespmem:$0x8880] =	vst v63  }
.Ltmp0:
0x12c: {  	s1 =	sadd.s32 @!p4 $0x7, s4;
	(pc) =	sbr.rel @p6 .LBB2_2-.Ltmp0, $4  }
0x12d: {  	[tilespmem:s5], [sflag:$0x9] =	stream.linear.gather @!p4 [spmem:s1], $0x1, $0x38;
	[tilespmem:$0x8880] =	vst v63  }
0x12e: {  	_ =	swait.ge @!p4 [sflag:s28], $0x8  }
0x12f: {  	s30 =	sadd.s32 $0x1, s30;
	p5 =	por p0, p0;
	[sflag:s28] =	ssyncset.done @!p4 $0x0  }
0x130: {  	s18 =	simm.s32 @!p5 $0x5;
	s4 =	rddreg [dreg:$0xc];
	[sflag:s28] =	ssyncadd.s32 @!p4 $0xFFFFFFF8  }
0x131: {  	s1 =	rddreg [dreg:$0x5];
	s0 =	sadd.s32 s0, s4;
	s26 =	sshrl.u32 s30, $0x3  }
0x132: {  	[hbm4b:s0+s3] =	stream.linear.scatter [tilespmem:s13], [sflag:$0x8], $0x2000, $0x38;
	[tilespmem:$0x8880] =	vst v63  }
0x133: {  	s4 =	sadd.s32 s1, s26;
	_ =	swait.ge @!p5 [sflag:s18], $0x2000  }
0x134: {  	s0 =	sand.u32 $0x38, s31;
	s1 =	sshll.u32 s4, $0x12;
	s5 =	rddreg [dreg:$0x6]  }
0x135: {  	s28 =	sshll.u32 s0, $0xC;
	s1 =	sadd.s32 s5, s1  }
0x136: {  	s1 =	sor.u32 s28, s1  }
0x137: {  	[sflag:s18] =	ssyncset.done @!p5 $0x0;
	s1 =	sshrl.u32 s1, $0x3  }
0x138: {  	[sflag:s18] =	ssyncadd.s32 @!p5 $0xFFFFE000;
	s8 =	sadd.s32 s2, s1  }
0x139: {  	[tilespmem:s3], [sflag:$0x1] =	stream.linear.gather [hbm4b:s8+s3], $0x2000, $0x38;
	[tilespmem:$0x8880] =	vst v63  }
0x13a: {  	s10 =	simm.s32 @p5 $0x0;
	s9 =	sadd.s32 @p5 s1, s6;
	s8 =	simm.s32 @p5 $0x2000  }
0x13b: {  	[tilespmem:s8], [sflag:$0x2] =	stream.linear.gather @p5 [hbm4b:s9+s10], $0x2000, $0x38;
	[tilespmem:$0x8880] =	vst v63  }
0x13c: {  	s8 =	simm.s32 @!p5 $0x6  }
0x13d: {  	_ =	swait.ge @!p5 [sflag:s8], $0x2000  }
0x13e: {  	s9 =	simm.s32 @!p5 $0x2000;
	[sflag:s8] =	ssyncset.done @!p5 $0x0  }
0x13f: {  	s10 =	sadd.s32 @!p5 s1, s6;
	[sflag:s8] =	ssyncadd.s32 @!p5 $0xFFFFE000;
	s8 =	simm.s32 @!p5 $0x0  }
0x140: {  	[tilespmem:s9], [sflag:$0x2] =	stream.linear.gather @!p5 [hbm4b:s10+s8], $0x2000, $0x38;
	[tilespmem:$0x8880] =	vst v63  }
0x141: {  	s8 =	simm.s32 @!p5 $0x7  }
0x142: {  	_ =	swait.ge @!p5 [sflag:s8], $0x2000  }
0x143: {  	s29 =	rddreg [dreg:$0x7];
	[sflag:s8] =	ssyncset.done @!p5 $0x0  }
0x144: {  	s9 =	simm.s32 @!p5 $0x8;
	[sflag:s8] =	ssyncadd.s32 @!p5 $0xFFFFE000;
	s30 =	sadd.s32 s1, s29  }
0x145: {  	[tilespmem:s12], [sflag:$0x3] =	stream.linear.gather [hbm4b:s30+s3], $0x2000, $0x38;
	[tilespmem:$0x8880] =	vst v63  }
0x146: {  	_ =	swait.ge @!p5 [sflag:s9], $0x2000  }
0x147: {  	s31 =	rddreg [dreg:$0x8];
	[sflag:s9] =	ssyncset.done @!p5 $0x0  }
0x148: {  	[sflag:s9] =	ssyncadd.s32 @!p5 $0xFFFFE000;
	s9 =	sshll.u32 @!p1 s4, $0xB;
	s1 =	sadd.s32 s1, s31  }
0x149: {  	[tilespmem:s13], [sflag:$0x4] =	stream.linear.gather [hbm4b:s1+s3], $0x2000, $0x38;
	[tilespmem:$0x8880] =	vst v63  }
0x14a: {  	s1 =	sand.u32 @!p1 $0x3FFFF800, s9;
	_ =	swait.ge [sflag:s14], $0x2000  }
0x14b: {  	s1 =	sadd.s32 @!p1 s1, s7;
	[sflag:s14] =	ssyncset.done $0x0  }
0x14c: {  	s1 =	sadd.s32 @!p1 s0, s1;
	[sflag:s14] =	ssyncadd.s32 $0xFFFFE000  }
0x14d: {  	[tilespmem:s23], [sflag:$0x9] =	stream.linear.gather @!p1 [spmem:s1], $0x1, $0x38;
	[tilespmem:$0x8880] =	vst v63  }
0x14e: {  	s8 =	rddreg [dreg:$0x10];
	s10 =	sadd.s32 @!p1 $0x1, s1  }
0x14f: {  	[tilespmem:s8], [sflag:$0x9] =	stream.linear.gather @!p1 [spmem:s10], $0x1, $0x38;
	[tilespmem:$0x8880] =	vst v63  }
0x150: {  	s9 =	rddreg [dreg:$0x11];
	s10 =	sadd.s32 @!p1 $0x2, s1  }
0x151: {  	[tilespmem:s9], [sflag:$0x9] =	stream.linear.gather @!p1 [spmem:s10], $0x1, $0x38;
	[tilespmem:$0x8880] =	vst v63  }
0x152: {  	s8 =	rddreg [dreg:$0x12];
	s10 =	sadd.s32 @!p1 $0x3, s1  }
0x153: {  	[tilespmem:s8], [sflag:$0x9] =	stream.linear.gather @!p1 [spmem:s10], $0x1, $0x38;
	[tilespmem:$0x8880] =	vst v63  }
0x154: {  	s9 =	rddreg [dreg:$0x13];
	s10 =	sadd.s32 @!p1 $0x4, s1  }
0x155: {  	[tilespmem:s9], [sflag:$0x9] =	stream.linear.gather @!p1 [spmem:s10], $0x1, $0x38;
	[tilespmem:$0x8880] =	vst v63  }
0x156: {  	s8 =	rddreg [dreg:$0x14];
	s10 =	sadd.s32 @!p1 $0x5, s1  }
0x157: {  	[tilespmem:s8], [sflag:$0x9] =	stream.linear.gather @!p1 [spmem:s10], $0x1, $0x38;
	[tilespmem:$0x8880] =	vst v63  }
0x158: {  	s9 =	rddreg [dreg:$0x15];
	s10 =	sadd.s32 @!p1 $0x6, s1  }
0x159: {  	[tilespmem:s9], [sflag:$0x9] =	stream.linear.gather @!p1 [spmem:s10], $0x1, $0x38;
	[tilespmem:$0x8880] =	vst v63  }
0x15a: {  	s8 =	rddreg [dreg:$0x16];
	s1 =	sadd.s32 @!p1 $0x7, s1;
	s9 =	simm.s32 @!p1 $0x9  }
0x15b: {  	[tilespmem:s8], [sflag:$0x9] =	stream.linear.gather @!p1 [spmem:s1], $0x1, $0x38;
	[tilespmem:$0x8880] =	vst v63  }
0x15c: {  	_ =	swait.ge @!p1 [sflag:s9], $0x8  }
0x15d: {  	s11 =	sshll.u32 s4, $0x16;
	s10 =	rddreg [dreg:$0x9]  }
0x15e: {  	[sflag:s9] =	ssyncset.done @!p1 $0x0;
	s1 =	sor.u32 s10, s11  }
0x15f: {  	[sflag:s9] =	ssyncadd.s32 @!p1 $0xFFFFFFF8;
	s1 =	sor.u32 s28, s1  }
0x160: {  	s18 =	rddreg [dreg:$0x2];
	s5 =	sshrl.u32 s1, $0x3  }
0x161: {  	s1 =	sadd.s32 s18, s5  }
0x162: {  	[hbm4b:s1+s3] =	stream.linear.scatter [tilespmem:s3], [sflag:$0x5], $0x2000, $0x38;
	[tilespmem:$0x8880] =	vst v63  }
0x163: {  	s1 =	sshll.u32 @!p2 s4, $0xB  }
0x164: {  	_ =	swait.ge [sflag:s15], $0x2000;
	s1 =	sand.u32 @!p2 $0x3FFFF800, s1  }
0x165: {  	[sflag:s15] =	ssyncset.done $0x0;
	s1 =	sadd.s32 @!p2 s1, s7  }
0x166: {  	s8 =	rddreg [dreg:$0xd];
	[sflag:s15] =	ssyncadd.s32 $0xFFFFE000;
	s1 =	sadd.s32 @!p2 s0, s1  }
0x167: {  	[tilespmem:s8], [sflag:$0x9] =	stream.linear.gather @!p2 [spmem:s1], $0x1, $0x38;
	[tilespmem:$0x8880] =	vst v63  }
0x168: {  	s9 =	rddreg [dreg:$0x17];
	s10 =	sadd.s32 @!p2 $0x1, s1  }
0x169: {  	[tilespmem:s9], [sflag:$0x9] =	stream.linear.gather @!p2 [spmem:s10], $0x1, $0x38;
	[tilespmem:$0x8880] =	vst v63  }
0x16a: {  	s8 =	rddreg [dreg:$0x18];
	s10 =	sadd.s32 @!p2 $0x2, s1  }
0x16b: {  	[tilespmem:s8], [sflag:$0x9] =	stream.linear.gather @!p2 [spmem:s10], $0x1, $0x38;
	[tilespmem:$0x8880] =	vst v63  }
0x16c: {  	s9 =	rddreg [dreg:$0x19];
	s10 =	sadd.s32 @!p2 $0x3, s1  }
0x16d: {  	[tilespmem:s9], [sflag:$0x9] =	stream.linear.gather @!p2 [spmem:s10], $0x1, $0x38;
	[tilespmem:$0x8880] =	vst v63  }
0x16e: {  	s8 =	rddreg [dreg:$0x1a];
	s10 =	sadd.s32 @!p2 $0x4, s1  }
0x16f: {  	[tilespmem:s8], [sflag:$0x9] =	stream.linear.gather @!p2 [spmem:s10], $0x1, $0x38;
	[tilespmem:$0x8880] =	vst v63  }
0x170: {  	s9 =	rddreg [dreg:$0x1b];
	s10 =	sadd.s32 @!p2 $0x5, s1  }
0x171: {  	[tilespmem:s9], [sflag:$0x9] =	stream.linear.gather @!p2 [spmem:s10], $0x1, $0x38;
	[tilespmem:$0x8880] =	vst v63  }
0x172: {  	s8 =	rddreg [dreg:$0x1c];
	s10 =	sadd.s32 @!p2 $0x6, s1  }
0x173: {  	[tilespmem:s8], [sflag:$0x9] =	stream.linear.gather @!p2 [spmem:s10], $0x1, $0x38;
	[tilespmem:$0x8880] =	vst v63  }
0x174: {  	s9 =	rddreg [dreg:$0x1d];
	s1 =	sadd.s32 @!p2 $0x7, s1;
	s8 =	simm.s32 @!p2 $0x9  }
0x175: {  	[tilespmem:s9], [sflag:$0x9] =	stream.linear.gather @!p2 [spmem:s1], $0x1, $0x38;
	[tilespmem:$0x8880] =	vst v63  }
0x176: {  	_ =	swait.ge @!p2 [sflag:s8], $0x8  }
0x177: {  	s20 =	sld [smem:$0x7FD]  }
0x178: {  	s19 =	rddreg [dreg:$0xa];
	[sflag:s8] =	ssyncset.done @!p2 $0x0  }
0x179: {  	[sflag:s8] =	ssyncadd.s32 @!p2 $0xFFFFFFF8;
	s1 =	sadd.s32 s5, s19  }
0x17a: {  	[hbm4b:s1+s3] =	stream.linear.scatter [tilespmem:s20], [sflag:$0x6], $0x2000, $0x38;
	[tilespmem:$0x8880] =	vst v63  }
0x17b: {  	s1 =	sshll.u32 @!p3 s4, $0xB  }
0x17c: {  	_ =	swait.ge [sflag:s16], $0x2000;
	s1 =	sand.u32 @!p3 $0x3FFFF800, s1  }
0x17d: {  	s8 =	rddreg [dreg:$0xe];
	[sflag:s16] =	ssyncset.done $0x0;
	s1 =	sadd.s32 @!p3 s1, s7  }
0x17e: {  	s9 =	rddreg [dreg:$0x1e];
	[sflag:s16] =	ssyncadd.s32 $0xFFFFE000;
	s1 =	sadd.s32 @!p3 s0, s1  }
0x17f: {  	[tilespmem:s8], [sflag:$0x9] =	stream.linear.gather @!p3 [spmem:s1], $0x1, $0x38;
	[tilespmem:$0x8880] =	vst v63  }
0x180: {  	s8 =	rddreg [dreg:$0x1f];
	s10 =	sadd.s32 @!p3 $0x1, s1  }
0x181: {  	[tilespmem:s9], [sflag:$0x9] =	stream.linear.gather @!p3 [spmem:s10], $0x1, $0x38;
	[tilespmem:$0x8880] =	vst v63  }
0x182: {  	s9 =	sld [smem:$0x7EC];
	s10 =	sadd.s32 @!p3 $0x2, s1  }
0x183: {  	[tilespmem:s8], [sflag:$0x9] =	stream.linear.gather @!p3 [spmem:s10], $0x1, $0x38;
	[tilespmem:$0x8880] =	vst v63  }
0x184: {  	s8 =	sld [smem:$0x7ED];
	s10 =	sadd.s32 @!p3 $0x3, s1  }
0x185: {  	[tilespmem:s9], [sflag:$0x9] =	stream.linear.gather @!p3 [spmem:s10], $0x1, $0x38;
	[tilespmem:$0x8880] =	vst v63  }
0x186: {  	s9 =	sld [smem:$0x7EE];
	s10 =	sadd.s32 @!p3 $0x4, s1  }
0x187: {  	[tilespmem:s8], [sflag:$0x9] =	stream.linear.gather @!p3 [spmem:s10], $0x1, $0x38;
	[tilespmem:$0x8880] =	vst v63  }
0x188: {  	s8 =	sld [smem:$0x7EF];
	s10 =	sadd.s32 @!p3 $0x5, s1  }
0x189: {  	[tilespmem:s9], [sflag:$0x9] =	stream.linear.gather @!p3 [spmem:s10], $0x1, $0x38;
	[tilespmem:$0x8880] =	vst v63  }
0x18a: {  	s9 =	sld [smem:$0x7F0];
	s10 =	sadd.s32 @!p3 $0x6, s1  }
0x18b: {  	[tilespmem:s8], [sflag:$0x9] =	stream.linear.gather @!p3 [spmem:s10], $0x1, $0x38;
	[tilespmem:$0x8880] =	vst v63  }
0x18c: {  	s1 =	sadd.s32 @!p3 $0x7, s1  }
0x18d: {  	[tilespmem:s9], [sflag:$0x9] =	stream.linear.gather @!p3 [spmem:s1], $0x1, $0x38;
	[tilespmem:$0x8880] =	vst v63  }
0x18e: {  	s1 =	simm.s32 @!p3 $0x9  }
0x18f: {  	_ =	swait.ge @!p3 [sflag:s1], $0x8  }
0x190: {  	s21 =	rddreg [dreg:$0xb];
	[sflag:s1] =	ssyncset.done @!p3 $0x0  }
0x191: {  	[sflag:s1] =	ssyncadd.s32 @!p3 $0xFFFFFFF8;
	s22 =	sadd.s32 s5, s21;
	s1 =	sshll.u32 @!p4 s4, $0xB  }
0x192: {  	[hbm4b:s22+s3] =	stream.linear.scatter [tilespmem:s12], [sflag:$0x7], $0x2000, $0x38;
	[tilespmem:$0x8880] =	vst v63  }
0x193: {  	s1 =	sand.u32 @!p4 $0x3FFFF800, s1;
	_ =	swait.ge [sflag:s17], $0x2000  }
0x194: {  	s1 =	sadd.s32 @!p4 s1, s7;
	s4 =	rddreg [dreg:$0xf];
	[sflag:s17] =	ssyncset.done $0x0  }
0x195: {  	s0 =	sadd.s32 @!p4 s0, s1;
	s1 =	sld [smem:$0x7F1];
	[sflag:s17] =	ssyncadd.s32 $0xFFFFE000  }
0x196: {  	[tilespmem:s4], [sflag:$0x9] =	stream.linear.gather @!p4 [spmem:s0], $0x1, $0x38;
	[tilespmem:$0x8880] =	vst v63  }
0x197: {  	s8 =	sadd.s32 @!p4 $0x1, s0;
	s4 =	sld [smem:$0x7F2]  }
0x198: {  	[tilespmem:s1], [sflag:$0x9] =	stream.linear.gather @!p4 [spmem:s8], $0x1, $0x38;
	[tilespmem:$0x8880] =	vst v63  }
0x199: {  	s1 =	sld [smem:$0x7F3];
	s8 =	sadd.s32 @!p4 $0x2, s0  }
0x19a: {  	[tilespmem:s4], [sflag:$0x9] =	stream.linear.gather @!p4 [spmem:s8], $0x1, $0x38;
	[tilespmem:$0x8880] =	vst v63  }
0x19b: {  	s4 =	sld [smem:$0x7F4];
	s8 =	sadd.s32 @!p4 $0x3, s0  }
0x19c: {  	[tilespmem:s1], [sflag:$0x9] =	stream.linear.gather @!p4 [spmem:s8], $0x1, $0x38;
	[tilespmem:$0x8880] =	vst v63  }
0x19d: {  	s1 =	sld [smem:$0x7F5];
	s8 =	sadd.s32 @!p4 $0x4, s0  }
0x19e: {  	[tilespmem:s4], [sflag:$0x9] =	stream.linear.gather @!p4 [spmem:s8], $0x1, $0x38;
	[tilespmem:$0x8880] =	vst v63  }
0x19f: {  	s4 =	sld [smem:$0x7F6];
	s8 =	sadd.s32 @!p4 $0x5, s0  }
0x1a0: {  	[tilespmem:s1], [sflag:$0x9] =	stream.linear.gather @!p4 [spmem:s8], $0x1, $0x38;
	[tilespmem:$0x8880] =	vst v63  }
0x1a1: {  	s1 =	sld [smem:$0x7F7];
	s8 =	sadd.s32 @!p4 $0x6, s0  }
0x1a2: {  	[tilespmem:s4], [sflag:$0x9] =	stream.linear.gather @!p4 [spmem:s8], $0x1, $0x38;
	[tilespmem:$0x8880] =	vst v63  }
0x1a3: {  	s0 =	sadd.s32 @!p4 $0x7, s0  }
0x1a4: {  	[tilespmem:s1], [sflag:$0x9] =	stream.linear.gather @!p4 [spmem:s0], $0x1, $0x38;
	[tilespmem:$0x8880] =	vst v63  }
0x1a5: {  	s0 =	simm.s32 @!p4 $0x9  }
0x1a6: {  	_ =	swait.ge @!p4 [sflag:s0], $0x8  }
0x1a7: {  	s23 =	rddreg [dreg:$0xc];
	[sflag:s0] =	ssyncset.done @!p4 $0x0  }
0x1a8: {  	s25 =	simm.s32 $0x5;
	[sflag:s0] =	ssyncadd.s32 @!p4 $0xFFFFFFF8;
	s24 =	sadd.s32 s5, s23  }
0x1a9: {  	[hbm4b:s24+s3] =	stream.linear.scatter [tilespmem:s13], [sflag:$0x8], $0x2000, $0x38;
	[tilespmem:$0x8880] =	vst v63  }
0x1aa: {  	_ =	swait.ge [sflag:s25], $0x2000  }
0x1ab: {  	[sflag:s25] =	ssyncset.done $0x0  }
0x1ac: {  	s26 =	simm.s32 $0x6;
	[sflag:s25] =	ssyncadd.s32 $0xFFFFE000  }
0x1ad: {  	_ =	swait.ge [sflag:s26], $0x2000  }
0x1ae: {  	[sflag:s26] =	ssyncset.done $0x0  }
0x1af: {  	s28 =	simm.s32 $0x7;
	[sflag:s26] =	ssyncadd.s32 $0xFFFFE000  }
0x1b0: {  	_ =	swait.ge [sflag:s28], $0x2000  }
0x1b1: {  	[sflag:s28] =	ssyncset.done $0x0  }
0x1b2: {  	s29 =	simm.s32 $0x8;
	[sflag:s28] =	ssyncadd.s32 $0xFFFFE000  }
0x1b3: {  	_ =	swait.ge [sflag:s29], $0x2000  }
0x1b4: {  	s30 =	sld [smem:$0x7EB]  }
0x1b5: {  	s31 =	sld [smem:$0x7FA];
	_ =	sdelay $0x1  }
0x1b6: {  	s4 =	sadd.s32 $0x1, s30  }
0x1b7: {  	p0 =	sne.s32 s4, s31  }
.Ltmp1:
0x1b8: {  	_ = 	snop;
	(pc) =	sbr.rel @p0 .LBB2_1-.Ltmp1, $3  }
0x1b9: {  	_ =	sdelay $0x1  }
0x1ba: {  	[sflag:s29] =	ssyncset.done $0x0  }
0x1bb: {  	[sflag:s29] =	ssyncadd.s32 $0xFFFFE000  }
0x1bc: {  	_ =	sfence.sel $0x180000  }
0x1bd: {  	[bflag:$0x0] =	sbarrier.arrive $0xFFFF  }
0x1be: {  	_ =	strace $0x90000047  }
0x1bf: {  	[bflag:$0x2] =	sbarrier.arrive $0xFFFF  }
0x1c0: {  	s1 =	sld [smem:$0x7FB];
	_ =	sdelay $0x2  }
0x1c1: {  	s0 =	rddreg [dreg:$0x4];
	p0 =	seq.s32 s1, $0x1  }
0x1c2: {  	s0 =	sadd.s32 @!p0 $0x100000, s0  }
0x1c3: {  	[sflag:s0] =	ssyncadd.tile.s32 @!p0 $0x1;
	_ =	shalt  }
.Lfunc_end2:
_tile_overlayer_lowered:
.L_overlay_start_2:
0x1c4: {  	(tag) =	ssettag $0x2  }
0x1c5: {  	s0 =	rddreg [dreg:$0x0];
	s2 =	stileid.u32  }
0x1c6: {  	s1 =	rddreg [dreg:$0x1];
	p0 =	sne.s32 s2, $0x0  }
0x1c7: {  	s3 =	rddreg [dreg:$0x2];
	[bflag:$0x3] =	sbarrier.arrive $0xFFFF;
	s2 =	simm.s32 @!p0 $0x1C0A  }
0x1c8: {  	[timem:s3], [sflag:s2] =	dma.local @!p0 [hbm:s0], s1  }
0x1c9: {  	s0 =	simm.s32 @!p0 $0xA  }
0x1ca: {  	_ =	swait.ge @!p0 [sflag:s0], s1  }
0x1cb: {  	s1 =	ssub.s32 @!p0 $0x0, s1;
	[sflag:s0] =	ssyncset.done @!p0 $0x0  }
0x1cc: {  	[sflag:s0] =	ssyncadd.s32 @!p0 s1  }
0x1cd: {  	[bflag:$0x3] =	sbarrier.arrive $0xFFFF  }
0x1ce: {  	_ =	shalt  }

</sc_bundles>
